<compile_context>
chip_gen: v7x
topology: tpu7x:2x2x1
jax: 0.10.2.dev20260603
libtpu: 0.0.44.dev20260713+nightly
codegen_flags: <defaults>
</compile_context>

<pallas_src>
import dataclasses
import functools

import jax
import jax.numpy as jnp
from jax import lax
from jax.experimental import pallas as pl
from jax.experimental.pallas import tpu as pltpu
from jax.experimental.pallas import tpu_sc as plsc

B = 8
N = 1024
E = 4096
EQ = E // 4
NQ = N // 4
GAMMA = 1.0
LAM = 1.0
N_ITER = 10
STEP = 0.1
EPS = 1e-6
L = 16
NB = 128

_N_BISECT = 13
_N_NEWTON = 2


def _rsqrt(a):
    i = plsc.bitcast(a, jnp.int32)
    i = jnp.int32(0x5F3759DF) - lax.shift_right_arithmetic(i, 1)
    r = plsc.bitcast(i, jnp.float32)
    h = 0.5 * a
    for _ in range(3):
        r = r * (1.5 - h * r * r)
    return r


def _recip(a):
    av = jnp.full((L,), 1.0, jnp.float32) * a
    i = jnp.int32(0x7EF311C3) - plsc.bitcast(av, jnp.int32)
    r = plsc.bitcast(i, jnp.float32)
    for _ in range(4):
        r = r * (2.0 - av * r)
    return jnp.max(r)


def _sc_body(x_hbm, se_hbm, out_hbm, xv, y, agg, t1, parts, src, dst, shared, sem):
    cid = lax.axis_index("c")
    sid = lax.axis_index("s")
    lg = lax.shift_right_logical(sid, 2)
    q = lax.bitwise_and(sid, 3)
    g = cid * 4 + lg

    hs = [
        pltpu.async_copy(x_hbm.at[pl.ds(g * N, N)], xv, sem),
        pltpu.async_copy(x_hbm.at[pl.ds(g * N, N)], y, sem),
        pltpu.async_copy(se_hbm.at[g, 0, pl.ds(q * EQ, EQ)], src, sem),
        pltpu.async_copy(se_hbm.at[g, 1, pl.ds(q * EQ, EQ)], dst, sem),
    ]
    for h in hs:
        h.wait()

    @plsc.parallel_loop(0, N, step=L)
    def _(i):
        agg[pl.ds(i, L)] = jnp.zeros((L,), jnp.float32)

    @pl.loop(0, N_ITER)
    def _(it):
        slot = lax.bitwise_and(it, 1)

        @plsc.parallel_loop(0, EQ, step=L, unroll=2)
        def _(e):
            s = src[pl.ds(e, L)]
            t = dst[pl.ds(e, L)]
            ys = plsc.load_gather(y, [s])
            yt = plsc.load_gather(y, [t])
            d = ys - yt
            gv = d * _rsqrt(d * d + EPS)
            plsc.addupdate_scatter(agg, [s], gv)
            plsc.addupdate_scatter(agg, [t], -gv)

        pltpu.sync_copy(agg, shared.at[slot, lg, pl.ds(q * N, N)])
        plsc.subcore_barrier()
        hp = pltpu.async_copy(shared.at[slot, lg], parts, sem)

        @plsc.parallel_loop(0, N, step=L)
        def _(i):
            s = pl.ds(i, L)
            yi = y[s]
            y[s] = yi - STEP * (yi - xv[s])
            agg[s] = jnp.zeros((L,), jnp.float32)

        hp.wait()

        @plsc.parallel_loop(0, N, step=L)
        def _(i):
            s = pl.ds(i, L)
            a = (parts[pl.ds(i, L)] + parts[pl.ds(N + i, L)]) + (
                parts[pl.ds(2 * N + i, L)] + parts[pl.ds(3 * N + i, L)]
            )
            y[s] = y[s] - (STEP * LAM) * a

    @plsc.parallel_loop(0, N, step=L, unroll=2,
                        carry=jnp.full((L,), -3.4e38, jnp.float32))
    def _vmax(i, m):
        return jnp.maximum(m, y[pl.ds(i, L)])

    zmax = jnp.max(_vmax)

    lane_f = lax.convert_element_type(jax.lax.iota(jnp.int32, L), jnp.float32)
    ones = jnp.full((L,), 1.0, jnp.float32)

    def _hist_narrow(lo0, inv_w):
        @plsc.parallel_loop(0, NB, step=L)
        def _(i):
            parts[pl.ds(i, L)] = jnp.zeros((L,), jnp.float32)
            parts[pl.ds(N + i, L)] = jnp.zeros((L,), jnp.float32)

        scale = inv_w * float(NB)

        @plsc.parallel_loop(0, N, step=L, unroll=2)
        def _(i):
            zi = y[pl.ds(i, L)]
            u = (zi - lo0) * scale
            u = jnp.minimum(jnp.maximum(u, 0.0), float(NB - 1))
            bi = lax.convert_element_type(u, jnp.int32)
            plsc.addupdate_scatter(parts, [bi], zi)
            plsc.addupdate_scatter(parts, [bi + N], ones)

        carry_S = jnp.float32(0.0)
        carry_k = jnp.float32(0.0)
        best = lo0
        bw = 1.0 / scale
        for c in range(NB // L - 1, -1, -1):
            sv = parts[pl.ds(c * L, L)]
            kv = parts[pl.ds(N + c * L, L)]
            ssum = lax.rev(plsc.cumsum(lax.rev(sv, (0,))), (0,)) + carry_S
            ksum = lax.rev(plsc.cumsum(lax.rev(kv, (0,))), (0,)) + carry_k
            tb = lo0 + (float(c * L) + lane_f) * bw
            cond = ssum - ksum * tb - 1.0 >= 0.0
            cand = jnp.where(cond, tb, jnp.float32(-3.4e38))
            best = jnp.maximum(best, jnp.max(cand))
            carry_S = carry_S + jnp.sum(sv)
            carry_k = carry_k + jnp.sum(kv)
        return best

    lo2 = zmax - 1.0

    def _support(tau):
        def st(i, c):
            Sv, kv = c
            zi = y[pl.ds(i, L)]
            msk = zi > tau
            return (
                Sv + jnp.where(msk, zi, 0.0),
                kv + jnp.where(msk, 1.0, 0.0),
            )

        Sv, kv = plsc.parallel_loop(
            0, N, step=L, unroll=2,
            carry=(jnp.zeros((L,), jnp.float32), jnp.zeros((L,), jnp.float32)),
        )(st)
        return jnp.sum(Sv), jnp.sum(kv)

    def _bisect(_i, c):
        lo, hi = c
        mid = 0.5 * (lo + hi)

        def fb(i, fv):
            zi = y[pl.ds(i, L)]
            return fv + jnp.maximum(zi - mid, 0.0)

        fv = plsc.parallel_loop(
            0, N, step=L, unroll=2, carry=jnp.zeros((L,), jnp.float32)
        )(fb)
        pos = jnp.sum(fv) - 1.0 >= 0.0
        return (jnp.where(pos, mid, lo), jnp.where(pos, hi, mid))

    lo, _hi = lax.fori_loop(0, _N_BISECT, _bisect, (lo2, lo2 + 1.0))

    def _newton(_i, tau):
        S, k = _support(tau)
        return (S - 1.0) * _recip(jnp.maximum(k, 1.0))

    tau = lax.fori_loop(0, _N_NEWTON, _newton, lo)

    q0 = q * NQ

    @pl.loop(0, NQ, step=L)
    def _(i):
        t1[pl.ds(i, L)] = float(N) * jnp.maximum(y[pl.ds(q0 + i, L)] - tau, 0.0)

    pltpu.sync_copy(t1, out_hbm.at[pl.ds(g * N + q0, NQ)])


@jax.jit
def kernel(x, edge_index):
    se = edge_index.astype(jnp.int32).transpose(0, 2, 1)
    mesh = plsc.VectorSubcoreMesh(core_axis_name="c", subcore_axis_name="s")
    cp = pltpu.CompilerParams()
    if "needs_layout_passes" in pltpu.CompilerParams.__dataclass_fields__:
        cp = dataclasses.replace(cp, needs_layout_passes=False)
    run = pl.kernel(
        _sc_body,
        out_type=jax.ShapeDtypeStruct((B * N,), jnp.float32),
        mesh=mesh,
        scratch_types=[
            pltpu.VMEM((N,), jnp.float32),
            pltpu.VMEM((N,), jnp.float32),
            pltpu.VMEM((N,), jnp.float32),
            pltpu.VMEM((NQ,), jnp.float32),
            pltpu.VMEM((4 * N,), jnp.float32),
            pltpu.VMEM((EQ,), jnp.int32),
            pltpu.VMEM((EQ,), jnp.int32),
            pltpu.VMEM_SHARED((2, 4, 4 * N), jnp.float32),
            pltpu.SemaphoreType.DMA,
        ],
        compiler_params=cp,
    )
    return run(x, se)

# --- scband reference (transcript-rebuilt; emitter-appended) ---
"""Pipeline reference for scband-gfusedmax-n-73521250173288 (READ-ONLY COPY).

The authoritative reference and input builder live on the scoring server;
editing this copy changes nothing except your own understanding.
"""

import jax, jax.numpy as jnp
import numpy as np

B = 8
N = 1024
E = 4096
GAMMA = 1.0
LAM = 1.0
N_ITER = 10
STEP = 0.1
EPS = 1e-6


def setup_inputs(seed: int = 0) -> dict:
    key = jax.random.key(seed)
    k1, k2 = jax.random.split(key)
    x = jax.random.normal(k1, (B * N,), dtype=jnp.float32)
    edge_index = jax.random.randint(k2, (B, E, 2), 0, N, dtype=jnp.int64)
    return {"x": x, "edge_index": edge_index}


def _gfusedlasso(xv, src, dst, lam):
    # Smoothed graph fused lasso prox: min_y 0.5||y-x||^2 + lam * sum_{(i,j) in E} |y_i - y_j|
    # solved with fixed-step gradient descent on a smoothed absolute value.
    y = xv
    for _ in range(N_ITER):
        d = y[src] - y[dst]
        g = d / jnp.sqrt(d * d + EPS)
        agg = jnp.zeros_like(y).at[src].add(g) - jnp.zeros_like(y).at[dst].add(g)
        grad = (y - xv) + lam * agg
        y = y - STEP * grad
    return y


def _sparsemax(z):
    # standard sparsemax along the last (only) axis of a 1-D vector
    n = z.shape[0]
    zs = jnp.sort(z)[::-1]
    k = jnp.arange(1, n + 1, dtype=z.dtype)
    cs = jnp.cumsum(zs)
    cond = 1.0 + k * zs > cs
    kz = jnp.sum(cond.astype(jnp.int32))
    tau = (jnp.take(cs, kz - 1) - 1.0) / kz.astype(z.dtype)
    return jnp.maximum(z - tau, 0.0)


def reference(x, edge_index):
    # x: [B*N] concatenated node scores; edge_index: [B, E, 2] per-graph edges.
    # graph_size_list = [N]*B (equal-size graphs)
    xg = x.reshape(B, N)

    def per_graph(xv, ev):
        src = ev[:, 0]
        dst = ev[:, 1]
        fused = _gfusedlasso(xv, src, dst, LAM)
        p = _sparsemax(fused / GAMMA)
        return N * p  # output scaled by graph size, as in the torch module

    out = jax.vmap(per_graph)(xg, edge_index)
    return out.reshape(-1)

if __name__ == "__main__":
    import jax
    _d = setup_inputs()
    print(jax.jit(kernel)(*tuple(_d.values())))

</pallas_src>

<mosaic_0001>
#map = affine_map<(d0, d1) -> (0)>
#map1 = affine_map<(d0, d1) -> (0, 0, 0)>
module attributes {stable_mosaic.version = 14 : i64} {
  func.func @_sc_body(%arg0: i32, %arg1: i32, %arg2: memref<8192xf32, #tpu.memory_space<hbm>>, %arg3: memref<8x2x4096xi32, #tpu.memory_space<hbm>>, %arg4: memref<8192xf32, #tpu.memory_space<hbm>>, %arg5: memref<1024xf32, #tpu.memory_space<vmem>>, %arg6: memref<1024xf32, #tpu.memory_space<vmem>>, %arg7: memref<1024xf32, #tpu.memory_space<vmem>>, %arg8: memref<256xf32, #tpu.memory_space<vmem>>, %arg9: memref<4096xf32, #tpu.memory_space<vmem>>, %arg10: memref<1024xi32, #tpu.memory_space<vmem>>, %arg11: memref<1024xi32, #tpu.memory_space<vmem>>, %arg12: memref<2x4x4096xf32, #tpu.memory_space<vmem_shared>>, %arg13: memref<!tpu.dma_semaphore, #tpu.memory_space<semaphore_mem>>) attributes {dimension_semantics = [#tpu.dimension_semantics<core_parallel>, #tpu.dimension_semantics<subcore_parallel>], iteration_bounds = array<i64: 2, 16>, scalar_prefetch = 0 : i64, scratch_operands = 9 : i64, tpu.core_type = #tpu.core_type<sc_vector_subcore>, window_params = [{transform_indices = #map}, {transform_indices = #map1}, {transform_indices = #map}]} {
    %shift_right_logical3A = arith.constant 2 : i32
    %shift_right_logical3A_0 = arith.shrui %arg1, %shift_right_logical3A : i32
    %and3A = arith.constant 3 : i32
    %and3A_1 = arith.andi %arg1, %and3A : i32
    %mul3A = arith.constant 4 : i32
    %mul3A_2 = arith.muli %arg0, %mul3A : i32
    %add3A = arith.addi %mul3A_2, %shift_right_logical3A_0 : i32
    %mul3A_3 = arith.constant 1024 : i32
    %mul3A_4 = arith.muli %add3A, %mul3A_3 : i32
    %dma_start3A = tpu.memref_slice %arg2[%mul3A_4] : memref<8192xf32, #tpu.memory_space<hbm>> -> memref<1024xf32, #tpu.memory_space<hbm>>
    %dma_start3A_5 = tpu.memref_slice %arg2[%mul3A_4] : memref<8192xf32, #tpu.memory_space<hbm>> -> memref<1024xf32, #tpu.memory_space<hbm>>
    tpu.enqueue_dma source(%dma_start3A_5 : memref<1024xf32, #tpu.memory_space<hbm>>) target(%arg5 : memref<1024xf32, #tpu.memory_space<vmem>>) target_semaphore(%arg13 : memref<!tpu.dma_semaphore, #tpu.memory_space<semaphore_mem>>)
    %mul3A_6 = arith.constant 1024 : i32
    %mul3A_7 = arith.muli %add3A, %mul3A_6 : i32
    %dma_start3A_8 = tpu.memref_slice %arg2[%mul3A_7] : memref<8192xf32, #tpu.memory_space<hbm>> -> memref<1024xf32, #tpu.memory_space<hbm>>
    %dma_start3A_9 = tpu.memref_slice %arg2[%mul3A_7] : memref<8192xf32, #tpu.memory_space<hbm>> -> memref<1024xf32, #tpu.memory_space<hbm>>
    tpu.enqueue_dma source(%dma_start3A_9 : memref<1024xf32, #tpu.memory_space<hbm>>) target(%arg6 : memref<1024xf32, #tpu.memory_space<vmem>>) target_semaphore(%arg13 : memref<!tpu.dma_semaphore, #tpu.memory_space<semaphore_mem>>)
    %mul3A_10 = arith.constant 1024 : i32
    %mul3A_11 = arith.muli %and3A_1, %mul3A_10 : i32
    %dma_start3A_12 = arith.constant 0 : i32
    %dma_start3A_13 = tpu.memref_slice %arg3[%add3A, %dma_start3A_12, %mul3A_11] : memref<8x2x4096xi32, #tpu.memory_space<hbm>> -> memref<1x1x1024xi32, #tpu.memory_space<hbm>>
    %dma_start3A_14 = tpu.memref_squeeze %dma_start3A_13 : memref<1x1x1024xi32, #tpu.memory_space<hbm>> -> memref<1024xi32, #tpu.memory_space<hbm>>
    %dma_start3A_15 = tpu.memref_slice %arg3[%add3A, %dma_start3A_12, %mul3A_11] : memref<8x2x4096xi32, #tpu.memory_space<hbm>> -> memref<1x1x1024xi32, #tpu.memory_space<hbm>>
    %dma_start3A_16 = tpu.memref_squeeze %dma_start3A_15 : memref<1x1x1024xi32, #tpu.memory_space<hbm>> -> memref<1024xi32, #tpu.memory_space<hbm>>
    tpu.enqueue_dma source(%dma_start3A_16 : memref<1024xi32, #tpu.memory_space<hbm>>) target(%arg10 : memref<1024xi32, #tpu.memory_space<vmem>>) target_semaphore(%arg13 : memref<!tpu.dma_semaphore, #tpu.memory_space<semaphore_mem>>)
    %mul3A_17 = arith.constant 1024 : i32
    %mul3A_18 = arith.muli %and3A_1, %mul3A_17 : i32
    %dma_start3A_19 = arith.constant 1 : i32
    %dma_start3A_20 = tpu.memref_slice %arg3[%add3A, %dma_start3A_19, %mul3A_18] : memref<8x2x4096xi32, #tpu.memory_space<hbm>> -> memref<1x1x1024xi32, #tpu.memory_space<hbm>>
    %dma_start3A_21 = tpu.memref_squeeze %dma_start3A_20 : memref<1x1x1024xi32, #tpu.memory_space<hbm>> -> memref<1024xi32, #tpu.memory_space<hbm>>
    %dma_start3A_22 = tpu.memref_slice %arg3[%add3A, %dma_start3A_19, %mul3A_18] : memref<8x2x4096xi32, #tpu.memory_space<hbm>> -> memref<1x1x1024xi32, #tpu.memory_space<hbm>>
    %dma_start3A_23 = tpu.memref_squeeze %dma_start3A_22 : memref<1x1x1024xi32, #tpu.memory_space<hbm>> -> memref<1024xi32, #tpu.memory_space<hbm>>
    tpu.enqueue_dma source(%dma_start3A_23 : memref<1024xi32, #tpu.memory_space<hbm>>) target(%arg11 : memref<1024xi32, #tpu.memory_space<vmem>>) target_semaphore(%arg13 : memref<!tpu.dma_semaphore, #tpu.memory_space<semaphore_mem>>)
    %dma_wait3A = tpu.memref_slice %arg2[%mul3A_4] : memref<8192xf32, #tpu.memory_space<hbm>> -> memref<1024xf32, #tpu.memory_space<hbm>>
    %dma_wait3A_24 = tpu.memref_slice %arg2[%mul3A_4] : memref<8192xf32, #tpu.memory_space<hbm>> -> memref<1024xf32, #tpu.memory_space<hbm>>
    tpu.wait_dma2 semaphore(%arg13 : memref<!tpu.dma_semaphore, #tpu.memory_space<semaphore_mem>>) src(%dma_wait3A_24 : memref<1024xf32, #tpu.memory_space<hbm>>) dst(%arg5 : memref<1024xf32, #tpu.memory_space<vmem>>)
    %dma_wait3A_25 = tpu.memref_slice %arg2[%mul3A_7] : memref<8192xf32, #tpu.memory_space<hbm>> -> memref<1024xf32, #tpu.memory_space<hbm>>
    %dma_wait3A_26 = tpu.memref_slice %arg2[%mul3A_7] : memref<8192xf32, #tpu.memory_space<hbm>> -> memref<1024xf32, #tpu.memory_space<hbm>>
    tpu.wait_dma2 semaphore(%arg13 : memref<!tpu.dma_semaphore, #tpu.memory_space<semaphore_mem>>) src(%dma_wait3A_26 : memref<1024xf32, #tpu.memory_space<hbm>>) dst(%arg6 : memref<1024xf32, #tpu.memory_space<vmem>>)
    %dma_wait3A_27 = arith.constant 0 : i32
    %dma_wait3A_28 = tpu.memref_slice %arg3[%add3A, %dma_wait3A_27, %mul3A_11] : memref<8x2x4096xi32, #tpu.memory_space<hbm>> -> memref<1x1x1024xi32, #tpu.memory_space<hbm>>
    %dma_wait3A_29 = tpu.memref_squeeze %dma_wait3A_28 : memref<1x1x1024xi32, #tpu.memory_space<hbm>> -> memref<1024xi32, #tpu.memory_space<hbm>>
    %dma_wait3A_30 = tpu.memref_slice %arg3[%add3A, %dma_wait3A_27, %mul3A_11] : memref<8x2x4096xi32, #tpu.memory_space<hbm>> -> memref<1x1x1024xi32, #tpu.memory_space<hbm>>
    %dma_wait3A_31 = tpu.memref_squeeze %dma_wait3A_30 : memref<1x1x1024xi32, #tpu.memory_space<hbm>> -> memref<1024xi32, #tpu.memory_space<hbm>>
    tpu.wait_dma2 semaphore(%arg13 : memref<!tpu.dma_semaphore, #tpu.memory_space<semaphore_mem>>) src(%dma_wait3A_31 : memref<1024xi32, #tpu.memory_space<hbm>>) dst(%arg10 : memref<1024xi32, #tpu.memory_space<vmem>>)
    %dma_wait3A_32 = arith.constant 1 : i32
    %dma_wait3A_33 = tpu.memref_slice %arg3[%add3A, %dma_wait3A_32, %mul3A_18] : memref<8x2x4096xi32, #tpu.memory_space<hbm>> -> memref<1x1x1024xi32, #tpu.memory_space<hbm>>
    %dma_wait3A_34 = tpu.memref_squeeze %dma_wait3A_33 : memref<1x1x1024xi32, #tpu.memory_space<hbm>> -> memref<1024xi32, #tpu.memory_space<hbm>>
    %dma_wait3A_35 = tpu.memref_slice %arg3[%add3A, %dma_wait3A_32, %mul3A_18] : memref<8x2x4096xi32, #tpu.memory_space<hbm>> -> memref<1x1x1024xi32, #tpu.memory_space<hbm>>
    %dma_wait3A_36 = tpu.memref_squeeze %dma_wait3A_35 : memref<1x1x1024xi32, #tpu.memory_space<hbm>> -> memref<1024xi32, #tpu.memory_space<hbm>>
    tpu.wait_dma2 semaphore(%arg13 : memref<!tpu.dma_semaphore, #tpu.memory_space<semaphore_mem>>) src(%dma_wait3A_36 : memref<1024xi32, #tpu.memory_space<hbm>>) dst(%arg11 : memref<1024xi32, #tpu.memory_space<vmem>>)
    %parallel_loop3A = arith.constant 0 : i32
    %parallel_loop3A_37 = arith.constant 1024 : i32
    %parallel_loop3A_38 = arith.constant 16 : i32
    scf.for %parallel_loop3A_78 = %parallel_loop3A to %parallel_loop3A_37 step %parallel_loop3A_38  : i32 {
      %parallel_loop3A_79 = arith.constant 0.000000e+00 : f32
      %parallel_loop3A_80 = vector.broadcast %parallel_loop3A_79 : f32 to vector<16xf32>
      %parallel_loop3A_81 = arith.index_cast %parallel_loop3A_78 : i32 to index
      %parallel_loop3A_82 = tpu.vector_load %arg7[%parallel_loop3A_81] {strides = array<i32>} : memref<1024xf32, #tpu.memory_space<vmem>>, vector<16xf32>,
      tpu.vector_store %arg7[%parallel_loop3A_81], %parallel_loop3A_80 {strides = array<i32>} : memref<1024xf32, #tpu.memory_space<vmem>>, vector<16xf32>,
    } {sc.loop_unroll_factor = 1 : i64, sc.parallel_access}
    %scan3A = arith.constant 0 : i32
    %scan3A_39 = arith.constant 10 : i32
    %scan3A_40 = arith.addi %scan3A, %scan3A_39 : i32
    %scan3A_41 = arith.constant 1 : i32
    scf.for %scan3A_78 = %scan3A to %scan3A_40 step %scan3A_41  : i32 {
      %mul3A_79 = arith.constant 1 : i32
      %mul3A_80 = arith.muli %scan3A_78, %mul3A_79 : i32
      %add3A_81 = arith.constant 0 : i32
      %add3A_82 = arith.addi %add3A_81, %mul3A_80 : i32
      %and3A_83 = arith.constant 1 : i32
      %and3A_84 = arith.andi %add3A_82, %and3A_83 : i32
      %parallel_loop3A_85 = arith.constant 0 : i32
      %parallel_loop3A_86 = arith.constant 1024 : i32
      %parallel_loop3A_87 = arith.constant 16 : i32
      scf.for %parallel_loop3A_108 = %parallel_loop3A_85 to %parallel_loop3A_86 step %parallel_loop3A_87  : i32 {
        %parallel_loop3A_109 = arith.index_cast %parallel_loop3A_108 : i32 to index
        %parallel_loop3A_110 = tpu.vector_load %arg10[%parallel_loop3A_109] {strides = array<i32>} : memref<1024xi32, #tpu.memory_space<vmem>>, vector<16xi32>,
        %parallel_loop3A_111 = arith.index_cast %parallel_loop3A_108 : i32 to index
        %parallel_loop3A_112 = tpu.vector_load %arg11[%parallel_loop3A_111] {strides = array<i32>} : memref<1024xi32, #tpu.memory_space<vmem>>, vector<16xi32>,
        %parallel_loop3A_113 = tpu.vector_load_idx %arg6[%parallel_loop3A_110] : memref<1024xf32, #tpu.memory_space<vmem>>[vector<16xi32>], vector<16xf32>,
        %parallel_loop3A_114 = tpu.vector_load_idx %arg6[%parallel_loop3A_112] : memref<1024xf32, #tpu.memory_space<vmem>>[vector<16xi32>], vector<16xf32>,
        %parallel_loop3A_115 = arith.subf %parallel_loop3A_113, %parallel_loop3A_114 : vector<16xf32>
        %parallel_loop3A_116 = arith.mulf %parallel_loop3A_115, %parallel_loop3A_115 : vector<16xf32>
        %parallel_loop3A_117 = arith.constant 9.99999997E-7 : f32
        %parallel_loop3A_118 = vector.broadcast %parallel_loop3A_117 : f32 to vector<16xf32>
        %parallel_loop3A_119 = arith.addf %parallel_loop3A_116, %parallel_loop3A_118 : vector<16xf32>
        %parallel_loop3A_120 = vector.bitcast %parallel_loop3A_119 : vector<16xf32> to vector<16xi32>
        %parallel_loop3A_121 = arith.constant 1 : i32
        %parallel_loop3A_122 = vector.broadcast %parallel_loop3A_121 : i32 to vector<16xi32>
        %parallel_loop3A_123 = arith.shrsi %parallel_loop3A_120, %parallel_loop3A_122 : vector<16xi32>
        %parallel_loop3A_124 = arith.constant 1597463007 : i32
        %parallel_loop3A_125 = vector.broadcast %parallel_loop3A_124 : i32 to vector<16xi32>
        %parallel_loop3A_126 = arith.subi %parallel_loop3A_125, %parallel_loop3A_123 : vector<16xi32>
        %parallel_loop3A_127 = vector.bitcast %parallel_loop3A_126 : vector<16xi32> to vector<16xf32>
        %parallel_loop3A_128 = arith.constant 5.000000e-01 : f32
        %parallel_loop3A_129 = vector.broadcast %parallel_loop3A_128 : f32 to vector<16xf32>
        %parallel_loop3A_130 = arith.mulf %parallel_loop3A_129, %parallel_loop3A_119 : vector<16xf32>
        %parallel_loop3A_131 = arith.mulf %parallel_loop3A_130, %parallel_loop3A_127 : vector<16xf32>
        %parallel_loop3A_132 = arith.mulf %parallel_loop3A_131, %parallel_loop3A_127 : vector<16xf32>
        %parallel_loop3A_133 = arith.constant 1.500000e+00 : f32
        %parallel_loop3A_134 = vector.broadcast %parallel_loop3A_133 : f32 to vector<16xf32>
        %parallel_loop3A_135 = arith.subf %parallel_loop3A_134, %parallel_loop3A_132 : vector<16xf32>
        %parallel_loop3A_136 = arith.mulf %parallel_loop3A_127, %parallel_loop3A_135 : vector<16xf32>
        %parallel_loop3A_137 = arith.mulf %parallel_loop3A_130, %parallel_loop3A_136 : vector<16xf32>
        %parallel_loop3A_138 = arith.mulf %parallel_loop3A_137, %parallel_loop3A_136 : vector<16xf32>
        %parallel_loop3A_139 = arith.constant 1.500000e+00 : f32
        %parallel_loop3A_140 = vector.broadcast %parallel_loop3A_139 : f32 to vector<16xf32>
        %parallel_loop3A_141 = arith.subf %parallel_loop3A_140, %parallel_loop3A_138 : vector<16xf32>
        %parallel_loop3A_142 = arith.mulf %parallel_loop3A_136, %parallel_loop3A_141 : vector<16xf32>
        %parallel_loop3A_143 = arith.mulf %parallel_loop3A_130, %parallel_loop3A_142 : vector<16xf32>
        %parallel_loop3A_144 = arith.mulf %parallel_loop3A_143, %parallel_loop3A_142 : vector<16xf32>
        %parallel_loop3A_145 = arith.constant 1.500000e+00 : f32
        %parallel_loop3A_146 = vector.broadcast %parallel_loop3A_145 : f32 to vector<16xf32>
        %parallel_loop3A_147 = arith.subf %parallel_loop3A_146, %parallel_loop3A_144 : vector<16xf32>
        %parallel_loop3A_148 = arith.mulf %parallel_loop3A_142, %parallel_loop3A_147 : vector<16xf32>
        %parallel_loop3A_149 = arith.mulf %parallel_loop3A_115, %parallel_loop3A_148 : vector<16xf32>
        tpu.vector_store_idx %arg7[%parallel_loop3A_110], %parallel_loop3A_149 {add = true} : memref<1024xf32, #tpu.memory_space<vmem>>[vector<16xi32>], vector<16xf32>,
        %parallel_loop3A_150 = arith.constant 0.000000e+00 : f32
        %parallel_loop3A_151 = vector.broadcast %parallel_loop3A_150 : f32 to vector<16xf32>
        %parallel_loop3A_152 = arith.subf %parallel_loop3A_151, %parallel_loop3A_149 : vector<16xf32>
        tpu.vector_store_idx %arg7[%parallel_loop3A_112], %parallel_loop3A_152 {add = true} : memref<1024xf32, #tpu.memory_space<vmem>>[vector<16xi32>], vector<16xf32>,
      } {sc.loop_unroll_factor = 2 : i64, sc.parallel_access}
      %mul3A_88 = arith.constant 1024 : i32
      %mul3A_89 = arith.muli %and3A_1, %mul3A_88 : i32
      "tpu.region"() ({
        %run_scoped3A = tpu.sem_alloc : memref<!tpu.dma_semaphore, #tpu.memory_space<semaphore_mem>>
        %dma_start3A_108 = tpu.memref_slice %arg12[%and3A_84, %shift_right_logical3A_0, %mul3A_89] : memref<2x4x4096xf32, #tpu.memory_space<vmem_shared>> -> memref<1x1x1024xf32, #tpu.memory_space<vmem_shared>>
        %dma_start3A_109 = tpu.memref_squeeze %dma_start3A_108 : memref<1x1x1024xf32, #tpu.memory_space<vmem_shared>> -> memref<1024xf32, #tpu.memory_space<vmem_shared>>
        %dma_start3A_110 = tpu.memref_slice %arg12[%and3A_84, %shift_right_logical3A_0, %mul3A_89] : memref<2x4x4096xf32, #tpu.memory_space<vmem_shared>> -> memref<1x1x1024xf32, #tpu.memory_space<vmem_shared>>
        %dma_start3A_111 = tpu.memref_squeeze %dma_start3A_110 : memref<1x1x1024xf32, #tpu.memory_space<vmem_shared>> -> memref<1024xf32, #tpu.memory_space<vmem_shared>>
        tpu.enqueue_dma source(%arg7 : memref<1024xf32, #tpu.memory_space<vmem>>) target(%dma_start3A_111 : memref<1024xf32, #tpu.memory_space<vmem_shared>>) target_semaphore(%run_scoped3A : memref<!tpu.dma_semaphore, #tpu.memory_space<semaphore_mem>>)
        %dma_wait3A_112 = tpu.memref_slice %arg12[%and3A_84, %shift_right_logical3A_0, %mul3A_89] : memref<2x4x4096xf32, #tpu.memory_space<vmem_shared>> -> memref<1x1x1024xf32, #tpu.memory_space<vmem_shared>>
        %dma_wait3A_113 = tpu.memref_squeeze %dma_wait3A_112 : memref<1x1x1024xf32, #tpu.memory_space<vmem_shared>> -> memref<1024xf32, #tpu.memory_space<vmem_shared>>
        %dma_wait3A_114 = tpu.memref_slice %arg12[%and3A_84, %shift_right_logical3A_0, %mul3A_89] : memref<2x4x4096xf32, #tpu.memory_space<vmem_shared>> -> memref<1x1x1024xf32, #tpu.memory_space<vmem_shared>>
        %dma_wait3A_115 = tpu.memref_squeeze %dma_wait3A_114 : memref<1x1x1024xf32, #tpu.memory_space<vmem_shared>> -> memref<1024xf32, #tpu.memory_space<vmem_shared>>
        tpu.wait_dma2 semaphore(%run_scoped3A : memref<!tpu.dma_semaphore, #tpu.memory_space<semaphore_mem>>) src(%arg7 : memref<1024xf32, #tpu.memory_space<vmem>>) dst(%dma_wait3A_115 : memref<1024xf32, #tpu.memory_space<vmem_shared>>)
        tpu.yield
      }) : () -> ()
      %barrier3A = arith.constant 0 : index
      tpu.barrier barrier_id(%barrier3A)
      %dma_start3A_90 = arith.constant 0 : i32
      %dma_start3A_91 = tpu.memref_slice %arg12[%and3A_84, %shift_right_logical3A_0, %dma_start3A_90] : memref<2x4x4096xf32, #tpu.memory_space<vmem_shared>> -> memref<1x1x4096xf32, #tpu.memory_space<vmem_shared>>
      %dma_start3A_92 = tpu.memref_squeeze %dma_start3A_91 : memref<1x1x4096xf32, #tpu.memory_space<vmem_shared>> -> memref<4096xf32, #tpu.memory_space<vmem_shared>>
      %dma_start3A_93 = arith.constant 0 : i32
      %dma_start3A_94 = tpu.memref_slice %arg12[%and3A_84, %shift_right_logical3A_0, %dma_start3A_93] : memref<2x4x4096xf32, #tpu.memory_space<vmem_shared>> -> memref<1x1x4096xf32, #tpu.memory_space<vmem_shared>>
      %dma_start3A_95 = tpu.memref_squeeze %dma_start3A_94 : memref<1x1x4096xf32, #tpu.memory_space<vmem_shared>> -> memref<4096xf32, #tpu.memory_space<vmem_shared>>
      tpu.enqueue_dma source(%dma_start3A_95 : memref<4096xf32, #tpu.memory_space<vmem_shared>>) target(%arg9 : memref<4096xf32, #tpu.memory_space<vmem>>) target_semaphore(%arg13 : memref<!tpu.dma_semaphore, #tpu.memory_space<semaphore_mem>>)
      %parallel_loop3A_96 = arith.constant 0 : i32
      %parallel_loop3A_97 = arith.constant 1024 : i32
      %parallel_loop3A_98 = arith.constant 16 : i32
      scf.for %parallel_loop3A_108 = %parallel_loop3A_96 to %parallel_loop3A_97 step %parallel_loop3A_98  : i32 {
        %parallel_loop3A_109 = arith.index_cast %parallel_loop3A_108 : i32 to index
        %parallel_loop3A_110 = tpu.vector_load %arg6[%parallel_loop3A_109] {strides = array<i32>} : memref<1024xf32, #tpu.memory_space<vmem>>, vector<16xf32>,
        %parallel_loop3A_111 = arith.index_cast %parallel_loop3A_108 : i32 to index
        %parallel_loop3A_112 = tpu.vector_load %arg5[%parallel_loop3A_111] {strides = array<i32>} : memref<1024xf32, #tpu.memory_space<vmem>>, vector<16xf32>,
        %parallel_loop3A_113 = arith.subf %parallel_loop3A_110, %parallel_loop3A_112 : vector<16xf32>
        %parallel_loop3A_114 = arith.constant 1.000000e-01 : f32
        %parallel_loop3A_115 = vector.broadcast %parallel_loop3A_114 : f32 to vector<16xf32>
        %parallel_loop3A_116 = arith.mulf %parallel_loop3A_115, %parallel_loop3A_113 : vector<16xf32>
        %parallel_loop3A_117 = arith.subf %parallel_loop3A_110, %parallel_loop3A_116 : vector<16xf32>
        %parallel_loop3A_118 = arith.index_cast %parallel_loop3A_108 : i32 to index
        %parallel_loop3A_119 = tpu.vector_load %arg6[%parallel_loop3A_118] {strides = array<i32>} : memref<1024xf32, #tpu.memory_space<vmem>>, vector<16xf32>,
        tpu.vector_store %arg6[%parallel_loop3A_118], %parallel_loop3A_117 {strides = array<i32>} : memref<1024xf32, #tpu.memory_space<vmem>>, vector<16xf32>,
        %parallel_loop3A_120 = arith.constant 0.000000e+00 : f32
        %parallel_loop3A_121 = vector.broadcast %parallel_loop3A_120 : f32 to vector<16xf32>
        %parallel_loop3A_122 = arith.index_cast %parallel_loop3A_108 : i32 to index
        %parallel_loop3A_123 = tpu.vector_load %arg7[%parallel_loop3A_122] {strides = array<i32>} : memref<1024xf32, #tpu.memory_space<vmem>>, vector<16xf32>,
        tpu.vector_store %arg7[%parallel_loop3A_122], %parallel_loop3A_121 {strides = array<i32>} : memref<1024xf32, #tpu.memory_space<vmem>>, vector<16xf32>,
      } {sc.loop_unroll_factor = 1 : i64, sc.parallel_access}
      %dma_wait3A_99 = arith.constant 0 : i32
      %dma_wait3A_100 = tpu.memref_slice %arg12[%and3A_84, %shift_right_logical3A_0, %dma_wait3A_99] : memref<2x4x4096xf32, #tpu.memory_space<vmem_shared>> -> memref<1x1x4096xf32, #tpu.memory_space<vmem_shared>>
      %dma_wait3A_101 = tpu.memref_squeeze %dma_wait3A_100 : memref<1x1x4096xf32, #tpu.memory_space<vmem_shared>> -> memref<4096xf32, #tpu.memory_space<vmem_shared>>
      %dma_wait3A_102 = arith.constant 0 : i32
      %dma_wait3A_103 = tpu.memref_slice %arg12[%and3A_84, %shift_right_logical3A_0, %dma_wait3A_102] : memref<2x4x4096xf32, #tpu.memory_space<vmem_shared>> -> memref<1x1x4096xf32, #tpu.memory_space<vmem_shared>>
      %dma_wait3A_104 = tpu.memref_squeeze %dma_wait3A_103 : memref<1x1x4096xf32, #tpu.memory_space<vmem_shared>> -> memref<4096xf32, #tpu.memory_space<vmem_shared>>
      tpu.wait_dma2 semaphore(%arg13 : memref<!tpu.dma_semaphore, #tpu.memory_space<semaphore_mem>>) src(%dma_wait3A_104 : memref<4096xf32, #tpu.memory_space<vmem_shared>>) dst(%arg9 : memref<4096xf32, #tpu.memory_space<vmem>>)
      %parallel_loop3A_105 = arith.constant 0 : i32
      %parallel_loop3A_106 = arith.constant 1024 : i32
      %parallel_loop3A_107 = arith.constant 16 : i32
      scf.for %parallel_loop3A_108 = %parallel_loop3A_105 to %parallel_loop3A_106 step %parallel_loop3A_107  : i32 {
        %parallel_loop3A_109 = arith.index_cast %parallel_loop3A_108 : i32 to index
        %parallel_loop3A_110 = tpu.vector_load %arg9[%parallel_loop3A_109] {strides = array<i32>} : memref<4096xf32, #tpu.memory_space<vmem>>, vector<16xf32>,
        %parallel_loop3A_111 = arith.constant 1024 : i32
        %parallel_loop3A_112 = arith.addi %parallel_loop3A_111, %parallel_loop3A_108 : i32
        %parallel_loop3A_113 = arith.index_cast %parallel_loop3A_112 : i32 to index
        %parallel_loop3A_114 = tpu.vector_load %arg9[%parallel_loop3A_113] {strides = array<i32>} : memref<4096xf32, #tpu.memory_space<vmem>>, vector<16xf32>,
        %parallel_loop3A_115 = arith.addf %parallel_loop3A_110, %parallel_loop3A_114 : vector<16xf32>
        %parallel_loop3A_116 = arith.constant 2048 : i32
        %parallel_loop3A_117 = arith.addi %parallel_loop3A_116, %parallel_loop3A_108 : i32
        %parallel_loop3A_118 = arith.index_cast %parallel_loop3A_117 : i32 to index
        %parallel_loop3A_119 = tpu.vector_load %arg9[%parallel_loop3A_118] {strides = array<i32>} : memref<4096xf32, #tpu.memory_space<vmem>>, vector<16xf32>,
        %parallel_loop3A_120 = arith.constant 3072 : i32
        %parallel_loop3A_121 = arith.addi %parallel_loop3A_120, %parallel_loop3A_108 : i32
        %parallel_loop3A_122 = arith.index_cast %parallel_loop3A_121 : i32 to index
        %parallel_loop3A_123 = tpu.vector_load %arg9[%parallel_loop3A_122] {strides = array<i32>} : memref<4096xf32, #tpu.memory_space<vmem>>, vector<16xf32>,
        %parallel_loop3A_124 = arith.addf %parallel_loop3A_119, %parallel_loop3A_123 : vector<16xf32>
        %parallel_loop3A_125 = arith.addf %parallel_loop3A_115, %parallel_loop3A_124 : vector<16xf32>
        %parallel_loop3A_126 = arith.index_cast %parallel_loop3A_108 : i32 to index
        %parallel_loop3A_127 = tpu.vector_load %arg6[%parallel_loop3A_126] {strides = array<i32>} : memref<1024xf32, #tpu.memory_space<vmem>>, vector<16xf32>,
        %parallel_loop3A_128 = arith.constant 1.000000e-01 : f32
        %parallel_loop3A_129 = vector.broadcast %parallel_loop3A_128 : f32 to vector<16xf32>
        %parallel_loop3A_130 = arith.mulf %parallel_loop3A_129, %parallel_loop3A_125 : vector<16xf32>
        %parallel_loop3A_131 = arith.subf %parallel_loop3A_127, %parallel_loop3A_130 : vector<16xf32>
        %parallel_loop3A_132 = arith.index_cast %parallel_loop3A_108 : i32 to index
        %parallel_loop3A_133 = tpu.vector_load %arg6[%parallel_loop3A_132] {strides = array<i32>} : memref<1024xf32, #tpu.memory_space<vmem>>, vector<16xf32>,
        tpu.vector_store %arg6[%parallel_loop3A_132], %parallel_loop3A_131 {strides = array<i32>} : memref<1024xf32, #tpu.memory_space<vmem>>, vector<16xf32>,
      } {sc.loop_unroll_factor = 1 : i64, sc.parallel_access}
    }
    %scan3A_42 = arith.constant 10 : i32
    %broadcast_in_dim3A = arith.constant -3.400000e+38 : f32
    %broadcast_in_dim3A_43 = vector.broadcast %broadcast_in_dim3A : f32 to vector<16xf32>
    %parallel_loop3A_44 = arith.constant 0 : i32
    %parallel_loop3A_45 = arith.constant 1024 : i32
    %parallel_loop3A_46 = arith.constant 16 : i32
    %parallel_loop3A_47 = scf.for %parallel_loop3A_78 = %parallel_loop3A_44 to %parallel_loop3A_45 step %parallel_loop3A_46 iter_args(%parallel_loop3A_79 = %broadcast_in_dim3A_43) -> (vector<16xf32>)  : i32 {
      %parallel_loop3A_80 = arith.index_cast %parallel_loop3A_78 : i32 to index
      %parallel_loop3A_81 = tpu.vector_load %arg6[%parallel_loop3A_80] {strides = array<i32>} : memref<1024xf32, #tpu.memory_space<vmem>>, vector<16xf32>,
      %parallel_loop3A_82 = arith.maximumf %parallel_loop3A_79, %parallel_loop3A_81 : vector<16xf32>
      scf.yield %parallel_loop3A_82 : vector<16xf32>
    } {sc.loop_unroll_factor = 2 : i64, sc.parallel_access}
    %reduce_max3A = arith.constant true
    %reduce_max3A_48 = vector.broadcast %reduce_max3A : i1 to vector<16xi1>
    %reduce_max3A_49 = tpu.scan <max>, %parallel_loop3A_47 masked %reduce_max3A_48 : vector<16xf32>, vector<16xi1> -> vector<16xf32>
    %reduce_max3A_50 = vector.extract %reduce_max3A_49[15] : f32 from vector<16xf32>
    %iota3A = tpu.iota {dimensions = array<i32: 0>} : vector<16xi32>
    %convert_element_type3A = arith.sitofp %iota3A : vector<16xi32> to vector<16xf32>
    %broadcast_in_dim3A_51 = arith.constant 1.000000e+00 : f32
    %broadcast_in_dim3A_52 = vector.broadcast %broadcast_in_dim3A_51 : f32 to vector<16xf32>
    %sub3A = arith.constant 1.000000e+00 : f32
    %sub3A_53 = arith.subf %reduce_max3A_50, %sub3A : f32
    %add3A_54 = arith.constant 1.000000e+00 : f32
    %add3A_55 = arith.addf %sub3A_53, %add3A_54 : f32
    %scan3A_56 = arith.constant 0 : i32
    %scan3A_57 = arith.constant 13 : i32
    %scan3A_58 = arith.addi %scan3A_56, %scan3A_57 : i32
    %scan3A_59 = arith.constant 1 : i32
    %scan3A_60:2 = scf.for %scan3A_78 = %scan3A_56 to %scan3A_58 step %scan3A_59 iter_args(%scan3A_79 = %sub3A_53, %scan3A_80 = %add3A_55) -> (f32, f32)  : i32 {
      %add3A_81 = arith.addf %scan3A_79, %scan3A_80 : f32
      %mul3A_82 = arith.constant 5.000000e-01 : f32
      %mul3A_83 = arith.mulf %mul3A_82, %add3A_81 : f32
      %broadcast_in_dim3A_84 = arith.constant 0.000000e+00 : f32
      %broadcast_in_dim3A_85 = vector.broadcast %broadcast_in_dim3A_84 : f32 to vector<16xf32>
      %parallel_loop3A_86 = arith.constant 0 : i32
      %parallel_loop3A_87 = arith.constant 1024 : i32
      %parallel_loop3A_88 = arith.constant 16 : i32
      %parallel_loop3A_89 = scf.for %parallel_loop3A_97 = %parallel_loop3A_86 to %parallel_loop3A_87 step %parallel_loop3A_88 iter_args(%parallel_loop3A_98 = %broadcast_in_dim3A_85) -> (vector<16xf32>)  : i32 {
        %parallel_loop3A_99 = arith.index_cast %parallel_loop3A_97 : i32 to index
        %parallel_loop3A_100 = tpu.vector_load %arg6[%parallel_loop3A_99] {strides = array<i32>} : memref<1024xf32, #tpu.memory_space<vmem>>, vector<16xf32>,
        %parallel_loop3A_101 = vector.broadcast %mul3A_83 : f32 to vector<16xf32>
        %parallel_loop3A_102 = arith.subf %parallel_loop3A_100, %parallel_loop3A_101 : vector<16xf32>
        %parallel_loop3A_103 = arith.constant 0.000000e+00 : f32
        %parallel_loop3A_104 = vector.broadcast %parallel_loop3A_103 : f32 to vector<16xf32>
        %parallel_loop3A_105 = arith.maximumf %parallel_loop3A_102, %parallel_loop3A_104 : vector<16xf32>
        %parallel_loop3A_106 = arith.addf %parallel_loop3A_98, %parallel_loop3A_105 : vector<16xf32>
        scf.yield %parallel_loop3A_106 : vector<16xf32>
      } {sc.loop_unroll_factor = 2 : i64, sc.parallel_access}
      %reduce_sum3A = arith.constant true
      %reduce_sum3A_90 = vector.broadcast %reduce_sum3A : i1 to vector<16xi1>
      %reduce_sum3A_91 = tpu.scan <sum>, %parallel_loop3A_89 masked %reduce_sum3A_90 : vector<16xf32>, vector<16xi1> -> vector<16xf32>
      %reduce_sum3A_92 = vector.extract %reduce_sum3A_91[15] : f32 from vector<16xf32>
      %sub3A_93 = arith.constant 1.000000e+00 : f32
      %sub3A_94 = arith.subf %reduce_sum3A_92, %sub3A_93 : f32
      %ge3A = arith.constant 0.000000e+00 : f32
      %ge3A_95 = arith.cmpf oge, %sub3A_94, %ge3A : f32
      %select_n3A = arith.select %ge3A_95, %mul3A_83, %scan3A_79 : f32
      %select_n3A_96 = arith.select %ge3A_95, %scan3A_80, %mul3A_83 : f32
      scf.yield %select_n3A, %select_n3A_96 : f32, f32
    }
    %scan3A_61 = arith.constant 13 : i32
    %scan3A_62 = arith.constant 0 : i32
    %scan3A_63 = arith.constant 2 : i32
    %scan3A_64 = arith.addi %scan3A_62, %scan3A_63 : i32
    %scan3A_65 = arith.constant 1 : i32
    %scan3A_66 = scf.for %scan3A_78 = %scan3A_62 to %scan3A_64 step %scan3A_65 iter_args(%scan3A_79 = %scan3A_60#0) -> (f32)  : i32 {
      %broadcast_in_dim3A_80 = arith.constant 0.000000e+00 : f32
      %broadcast_in_dim3A_81 = vector.broadcast %broadcast_in_dim3A_80 : f32 to vector<16xf32>
      %broadcast_in_dim3A_82 = arith.constant 0.000000e+00 : f32
      %broadcast_in_dim3A_83 = vector.broadcast %broadcast_in_dim3A_82 : f32 to vector<16xf32>
      %parallel_loop3A_84 = arith.constant 0 : i32
      %parallel_loop3A_85 = arith.constant 1024 : i32
      %parallel_loop3A_86 = arith.constant 16 : i32
      %parallel_loop3A_87:2 = scf.for %parallel_loop3A_131 = %parallel_loop3A_84 to %parallel_loop3A_85 step %parallel_loop3A_86 iter_args(%parallel_loop3A_132 = %broadcast_in_dim3A_81, %parallel_loop3A_133 = %broadcast_in_dim3A_83) -> (vector<16xf32>, vector<16xf32>)  : i32 {
        %parallel_loop3A_134 = arith.index_cast %parallel_loop3A_131 : i32 to index
        %parallel_loop3A_135 = tpu.vector_load %arg6[%parallel_loop3A_134] {strides = array<i32>} : memref<1024xf32, #tpu.memory_space<vmem>>, vector<16xf32>,
        %parallel_loop3A_136 = vector.broadcast %scan3A_79 : f32 to vector<16xf32>
        %parallel_loop3A_137 = arith.cmpf ogt, %parallel_loop3A_135, %parallel_loop3A_136 : vector<16xf32>
        %parallel_loop3A_138 = arith.constant 0.000000e+00 : f32
        %parallel_loop3A_139 = vector.broadcast %parallel_loop3A_138 : f32 to vector<16xf32>
        %parallel_loop3A_140 = arith.select %parallel_loop3A_137, %parallel_loop3A_135, %parallel_loop3A_139 : vector<16xi1>, vector<16xf32>
        %parallel_loop3A_141 = arith.addf %parallel_loop3A_132, %parallel_loop3A_140 : vector<16xf32>
        %parallel_loop3A_142 = arith.constant 1.000000e+00 : f32
        %parallel_loop3A_143 = arith.constant 0.000000e+00 : f32
        %parallel_loop3A_144 = vector.broadcast %parallel_loop3A_142 : f32 to vector<16xf32>
        %parallel_loop3A_145 = vector.broadcast %parallel_loop3A_143 : f32 to vector<16xf32>
        %parallel_loop3A_146 = arith.select %parallel_loop3A_137, %parallel_loop3A_144, %parallel_loop3A_145 : vector<16xi1>, vector<16xf32>
        %parallel_loop3A_147 = arith.addf %parallel_loop3A_133, %parallel_loop3A_146 : vector<16xf32>
        scf.yield %parallel_loop3A_141, %parallel_loop3A_147 : vector<16xf32>, vector<16xf32>
      } {sc.loop_unroll_factor = 2 : i64, sc.parallel_access}
      %reduce_sum3A = arith.constant true
      %reduce_sum3A_88 = vector.broadcast %reduce_sum3A : i1 to vector<16xi1>
      %reduce_sum3A_89 = tpu.scan <sum>, %parallel_loop3A_87#0 masked %reduce_sum3A_88 : vector<16xf32>, vector<16xi1> -> vector<16xf32>
      %reduce_sum3A_90 = vector.extract %reduce_sum3A_89[15] : f32 from vector<16xf32>
      %reduce_sum3A_91 = arith.constant true
      %reduce_sum3A_92 = vector.broadcast %reduce_sum3A_91 : i1 to vector<16xi1>
      %reduce_sum3A_93 = tpu.scan <sum>, %parallel_loop3A_87#1 masked %reduce_sum3A_92 : vector<16xf32>, vector<16xi1> -> vector<16xf32>
      %reduce_sum3A_94 = vector.extract %reduce_sum3A_93[15] : f32 from vector<16xf32>
      %sub3A_95 = arith.constant 1.000000e+00 : f32
      %sub3A_96 = arith.subf %reduce_sum3A_90, %sub3A_95 : f32
      %max3A = arith.constant 1.000000e+00 : f32
      %max3A_97 = arith.maximumf %reduce_sum3A_94, %max3A : f32
      %broadcast_in_dim3A_98 = arith.constant 1.000000e+00 : f32
      %broadcast_in_dim3A_99 = vector.broadcast %broadcast_in_dim3A_98 : f32 to vector<16xf32>
      %mul3A_100 = vector.broadcast %max3A_97 : f32 to vector<16xf32>
      %mul3A_101 = arith.mulf %broadcast_in_dim3A_99, %mul3A_100 : vector<16xf32>
      %bitcast3A = vector.bitcast %mul3A_101 : vector<16xf32> to vector<16xi32>
      %sub3A_102 = arith.constant 2129859011 : i32
      %sub3A_103 = vector.broadcast %sub3A_102 : i32 to vector<16xi32>
      %sub3A_104 = arith.subi %sub3A_103, %bitcast3A : vector<16xi32>
      %bitcast3A_105 = vector.bitcast %sub3A_104 : vector<16xi32> to vector<16xf32>
      %mul3A_106 = arith.mulf %mul3A_101, %bitcast3A_105 : vector<16xf32>
      %sub3A_107 = arith.constant 2.000000e+00 : f32
      %sub3A_108 = vector.broadcast %sub3A_107 : f32 to vector<16xf32>
      %sub3A_109 = arith.subf %sub3A_108, %mul3A_106 : vector<16xf32>
      %mul3A_110 = arith.mulf %bitcast3A_105, %sub3A_109 : vector<16xf32>
      %mul3A_111 = arith.mulf %mul3A_101, %mul3A_110 : vector<16xf32>
      %sub3A_112 = arith.constant 2.000000e+00 : f32
      %sub3A_113 = vector.broadcast %sub3A_112 : f32 to vector<16xf32>
      %sub3A_114 = arith.subf %sub3A_113, %mul3A_111 : vector<16xf32>
      %mul3A_115 = arith.mulf %mul3A_110, %sub3A_114 : vector<16xf32>
      %mul3A_116 = arith.mulf %mul3A_101, %mul3A_115 : vector<16xf32>
      %sub3A_117 = arith.constant 2.000000e+00 : f32
      %sub3A_118 = vector.broadcast %sub3A_117 : f32 to vector<16xf32>
      %sub3A_119 = arith.subf %sub3A_118, %mul3A_116 : vector<16xf32>
      %mul3A_120 = arith.mulf %mul3A_115, %sub3A_119 : vector<16xf32>
      %mul3A_121 = arith.mulf %mul3A_101, %mul3A_120 : vector<16xf32>
      %sub3A_122 = arith.constant 2.000000e+00 : f32
      %sub3A_123 = vector.broadcast %sub3A_122 : f32 to vector<16xf32>
      %sub3A_124 = arith.subf %sub3A_123, %mul3A_121 : vector<16xf32>
      %mul3A_125 = arith.mulf %mul3A_120, %sub3A_124 : vector<16xf32>
      %reduce_max3A_126 = arith.constant true
      %reduce_max3A_127 = vector.broadcast %reduce_max3A_126 : i1 to vector<16xi1>
      %reduce_max3A_128 = tpu.scan <max>, %mul3A_125 masked %reduce_max3A_127 : vector<16xf32>, vector<16xi1> -> vector<16xf32>
      %reduce_max3A_129 = vector.extract %reduce_max3A_128[15] : f32 from vector<16xf32>
      %mul3A_130 = arith.mulf %sub3A_96, %reduce_max3A_129 : f32
      scf.yield %mul3A_130 : f32
    }
    %scan3A_67 = arith.constant 2 : i32
    %mul3A_68 = arith.constant 256 : i32
    %mul3A_69 = arith.muli %and3A_1, %mul3A_68 : i32
    %scan3A_70 = arith.constant 0 : i32
    %scan3A_71 = arith.constant 16 : i32
    %scan3A_72 = arith.addi %scan3A_70, %scan3A_71 : i32
    %scan3A_73 = arith.constant 1 : i32
    scf.for %scan3A_78 = %scan3A_70 to %scan3A_72 step %scan3A_73  : i32 {
      %mul3A_79 = arith.constant 16 : i32
      %mul3A_80 = arith.muli %scan3A_78, %mul3A_79 : i32
      %add3A_81 = arith.constant 0 : i32
      %add3A_82 = arith.addi %add3A_81, %mul3A_80 : i32
      %add3A_83 = arith.addi %mul3A_69, %add3A_82 : i32
      %get3A = arith.index_cast %add3A_83 : i32 to index
      %get3A_84 = tpu.vector_load %arg6[%get3A] {strides = array<i32>} : memref<1024xf32, #tpu.memory_space<vmem>>, vector<16xf32>,
      %sub3A_85 = vector.broadcast %scan3A_66 : f32 to vector<16xf32>
      %sub3A_86 = arith.subf %get3A_84, %sub3A_85 : vector<16xf32>
      %max3A = arith.constant 0.000000e+00 : f32
      %max3A_87 = vector.broadcast %max3A : f32 to vector<16xf32>
      %max3A_88 = arith.maximumf %sub3A_86, %max3A_87 : vector<16xf32>
      %mul3A_89 = arith.constant 1.024000e+03 : f32
      %mul3A_90 = vector.broadcast %mul3A_89 : f32 to vector<16xf32>
      %mul3A_91 = arith.mulf %mul3A_90, %max3A_88 : vector<16xf32>
      %swap3A = arith.index_cast %add3A_82 : i32 to index
      %swap3A_92 = tpu.vector_load %arg8[%swap3A] {strides = array<i32>} : memref<256xf32, #tpu.memory_space<vmem>>, vector<16xf32>,
      tpu.vector_store %arg8[%swap3A], %mul3A_91 {strides = array<i32>} : memref<256xf32, #tpu.memory_space<vmem>>, vector<16xf32>,
    }
    %scan3A_74 = arith.constant 16 : i32
    %mul3A_75 = arith.constant 1024 : i32
    %mul3A_76 = arith.muli %add3A, %mul3A_75 : i32
    %add3A_77 = arith.addi %mul3A_76, %mul3A_69 : i32
    "tpu.region"() ({
      %run_scoped3A = tpu.sem_alloc : memref<!tpu.dma_semaphore, #tpu.memory_space<semaphore_mem>>
      %dma_start3A_78 = tpu.memref_slice %arg4[%add3A_77] : memref<8192xf32, #tpu.memory_space<hbm>> -> memref<256xf32, #tpu.memory_space<hbm>>
      %dma_start3A_79 = tpu.memref_slice %arg4[%add3A_77] : memref<8192xf32, #tpu.memory_space<hbm>> -> memref<256xf32, #tpu.memory_space<hbm>>
      tpu.enqueue_dma source(%arg8 : memref<256xf32, #tpu.memory_space<vmem>>) target(%dma_start3A_79 : memref<256xf32, #tpu.memory_space<hbm>>) target_semaphore(%run_scoped3A : memref<!tpu.dma_semaphore, #tpu.memory_space<semaphore_mem>>)
      %dma_wait3A_80 = tpu.memref_slice %arg4[%add3A_77] : memref<8192xf32, #tpu.memory_space<hbm>> -> memref<256xf32, #tpu.memory_space<hbm>>
      %dma_wait3A_81 = tpu.memref_slice %arg4[%add3A_77] : memref<8192xf32, #tpu.memory_space<hbm>> -> memref<256xf32, #tpu.memory_space<hbm>>
      tpu.wait_dma2 semaphore(%run_scoped3A : memref<!tpu.dma_semaphore, #tpu.memory_space<semaphore_mem>>) src(%arg8 : memref<256xf32, #tpu.memory_space<vmem>>) dst(%dma_wait3A_81 : memref<256xf32, #tpu.memory_space<hbm>>)
      tpu.yield
    }) : () -> ()
    return
  }
}

</mosaic_0001>

<sc_bundles>
// kernel: kernel.3.cloned.1.call-start
scs
__scs_entry_jumppad:
0x0: {  	(pc) =	sbr.rel $0x88, $3  }
0x1: {  	(tag) =	ssettag $0x0;
	lr =	simm.s32 $0x1  }
0x2: {  	[smem:$0x3F9F] =	sst lr;
	_ =	strace $0xD0000000  }
0x3: {  	_ = 	snop  }
0x4: {  	_ = 	snop  }
0x5: {  	_ = 	snop  }
0x6: {  	_ = 	snop  }
0x7: {  	_ = 	snop  }
__scs_overlays_trampoline_lowered:
0x8: {  	[smem:$0x3FAE] =	sst s0  }
0x9: {  	[smem:$0x3FAF] =	sst s1  }
0xa: {  	[smem:$0x3FB0] =	sst s2  }
0xb: {  	[smem:$0x3FB1] =	sst s3  }
0xc: {  	[smem:$0x3FB2] =	sst s4  }
0xd: {  	[smem:$0x3FB3] =	sst s5  }
0xe: {  	[smem:$0x3FB4] =	sst s6  }
0xf: {  	[smem:$0x3FB5] =	sst s7  }
0x10: {  	[smem:$0x3FB6] =	sst s8  }
0x11: {  	[smem:$0x3FB7] =	sst s9;
	s0 =	simm.s32 @!p0 $0x0  }
0x12: {  	s1 =	sld [smem:$0x3F9D];
	s0 =	simm.s32 @p0 $0x1  }
0x13: {  	[smem:$0x3FB8] =	sst s0;
	s0 =	simm.s32 @!p1 $0x0  }
0x14: {  	s2 =	sld [smem:$0x3F9C];
	s0 =	simm.s32 @p1 $0x1  }
0x15: {  	[smem:$0x3FB9] =	sst s0;
	s0 =	simm.s32 @!p2 $0x0  }
0x16: {  	s3 =	sld [smem:$0x3FDB];
	s0 =	simm.s32 @p2 $0x1  }
0x17: {  	s4 =	simm.s32 $0x1BF5;
	[smem:$0x3FBB] =	sst s0  }
0x18: {  	s0 =	sld [smem:$0x3F9E];
	_ =	swait.ge [sflag:s4], $0x0  }
0x19: {  	s7 =	sld [smem:$0x3F9F]  }
0x1a: {  	s8 =	sadd.s32 $0xFFFFE003, lr  }
0x1b: {  	s9 =	sadd.s32 $0xFFFFFEF7, lr;
	s5 =	simm.s32 $0xFFFFFFFF;
	p2 =	slt.u32 s8, $0xFFFFF086  }
0x1c: {  	p1 =	slt.u32 s9, $0xF7A;
	s5 =	simm.s32 @!p2 $0x0  }
0x1d: {  	s5 =	simm.s32 @p1 $0x1;
	p0 =	seq.s32 s7, s2  }
0x1e: {  	s7 =	smul.u32 @!p0 $0xF7A, s2;
	p2 =	seq.s32 @!p0 s5, $0x0  }
0x1f: {  	s9 =	smul.u32 $0xF7A, s1;
	s8 =	simm.s32 @!p0 $0x1BF5;
	p2 =	por !p2, p0  }
0x20: {  	[sflag:s8] =	ssyncset.s32 @!p0 $0xFFFFF086;
	s6 =	sadd.s32 @!p0 s3, s7;
	s7 =	simm.s32 @!p0 $0x108  }
0x21: {  	s3 =	sadd.s32 s3, s9;
	s6 =	sadd.s32 @!p0 $0x88, s6;
	s7 =	simm.s32 @p2 $0x1082  }
0x22: {  	[simem:s7], [sflag:s8] =	dma.local @!p0 [hbm:s6], $0xF7A  }
0x23: {  	s9 =	sor.u32 $0xD0000000, s2;
	s6 =	simm.s32 $0x108;
	_ =	swait.ge @!p0 [sflag:s8], $0x0  }
0x24: {  	s3 =	sadd.s32 $0x88, s3;
	s6 =	simm.s32 @!p1 $0x1082;
	[sflag:s4] =	ssyncset.s32 $0xFFFFF086  }
0x25: {  	[simem:s6], [sflag:s4] =	dma.local [hbm:s3], $0xF7A  }
0x26: {  	[smem:$0x3F9F] =	sst s1;
	(tag) =	ssettag s2;
	_ =	strace s9  }
0x27: {  	s1 =	sld [smem:$0x3FAF]  }
0x28: {  	s2 =	sld [smem:$0x3FB0]  }
0x29: {  	s4 =	sld [smem:$0x3FB2]  }
0x2a: {  	p0 =	seq.s32 s5, $0x0;
	s5 =	sld [smem:$0x3FB3]  }
0x2b: {  	s6 =	sld [smem:$0x3FB4]  }
0x2c: {  	s7 =	sld [smem:$0x3FB5]  }
0x2d: {  	s3 =	simm.s32 $0x108;
	s8 =	sld [smem:$0x3FB6]  }
0x2e: {  	s3 =	simm.s32 @!p0 $0x1082;
	s9 =	sld [smem:$0x3FB7]  }
0x2f: {  	lr =	sadd.s32 s0, s3;
	s0 =	sld [smem:$0x3FAE]  }
0x30: {  	s3 =	sld [smem:$0x3FB1]  }
0x31: {  	[smem:$0x3FBA] =	sst s10  }
0x32: {  	s10 =	sld [smem:$0x3FB8];
	_ =	sdelay $0x3  }
0x33: {  	p0 =	seq.s32 s10, $0x1;
	s10 =	sld [smem:$0x3FBA];
	_ =	sdelay $0x3  }
0x34: {  	[smem:$0x3FBA] =	sst s10  }
0x35: {  	s10 =	sld [smem:$0x3FB9];
	_ =	sdelay $0x3  }
0x36: {  	p1 =	seq.s32 s10, $0x1;
	s10 =	sld [smem:$0x3FBA];
	_ =	sdelay $0x3  }
0x37: {  	[smem:$0x3FBA] =	sst s10  }
0x38: {  	s10 =	sld [smem:$0x3FBB]  }
0x39: {  	_ = 	snop;
	(pc) =	sbr.ind lr, $3  }
0x3a: {  	_ = 	snop  }
0x3b: {  	_ = 	snop  }
0x3c: {  	p2 =	seq.s32 s10, $0x1;
	s10 =	sld [smem:$0x3FBA]  }
0x3d: {  	_ =	shalt  }
0x3e: {  	_ =	shalt  }
0x3f: {  	_ =	shalt  }
0x40: {  	_ =	shalt  }
0x41: {  	_ =	shalt  }
0x42: {  	_ =	shalt  }
0x43: {  	_ =	shalt  }
0x44: {  	_ =	shalt  }
0x45: {  	_ =	shalt  }
0x46: {  	_ =	shalt  }
0x47: {  	_ =	shalt  }
0x48: {  	_ =	shalt  }
0x49: {  	_ =	shalt  }
0x4a: {  	_ =	shalt  }
0x4b: {  	_ =	shalt  }
0x4c: {  	_ =	shalt  }
0x4d: {  	_ =	shalt  }
0x4e: {  	_ =	shalt  }
0x4f: {  	_ =	shalt  }
0x50: {  	_ =	shalt  }
0x51: {  	_ =	shalt  }
0x52: {  	_ =	shalt  }
0x53: {  	_ =	shalt  }
0x54: {  	_ =	shalt  }
0x55: {  	_ =	shalt  }
0x56: {  	_ =	shalt  }
0x57: {  	_ =	shalt  }
0x58: {  	_ =	shalt  }
0x59: {  	_ =	shalt  }
0x5a: {  	_ =	shalt  }
0x5b: {  	_ =	shalt  }
0x5c: {  	_ =	shalt  }
0x5d: {  	_ =	shalt  }
0x5e: {  	_ =	shalt  }
0x5f: {  	_ =	shalt  }
0x60: {  	_ =	shalt  }
0x61: {  	_ =	shalt  }
0x62: {  	_ =	shalt  }
0x63: {  	_ =	shalt  }
0x64: {  	_ =	shalt  }
0x65: {  	_ =	shalt  }
0x66: {  	_ =	shalt  }
0x67: {  	_ =	shalt  }
0x68: {  	_ =	shalt  }
0x69: {  	_ =	shalt  }
0x6a: {  	_ =	shalt  }
0x6b: {  	_ =	shalt  }
0x6c: {  	_ =	shalt  }
0x6d: {  	_ =	shalt  }
0x6e: {  	_ =	shalt  }
0x6f: {  	_ =	shalt  }
0x70: {  	_ =	shalt  }
0x71: {  	_ =	shalt  }
0x72: {  	_ =	shalt  }
0x73: {  	_ =	shalt  }
0x74: {  	_ =	shalt  }
0x75: {  	_ =	shalt  }
0x76: {  	_ =	shalt  }
0x77: {  	_ =	shalt  }
0x78: {  	_ =	shalt  }
0x79: {  	_ =	shalt  }
0x7a: {  	_ =	shalt  }
0x7b: {  	_ =	shalt  }
0x7c: {  	_ =	shalt  }
0x7d: {  	_ =	shalt  }
0x7e: {  	_ =	shalt  }
0x7f: {  	_ =	shalt  }
0x80: {  	_ =	shalt  }
0x81: {  	_ =	shalt  }
0x82: {  	_ =	shalt  }
0x83: {  	_ =	shalt  }
0x84: {  	_ =	shalt  }
0x85: {  	_ =	shalt  }
0x86: {  	_ =	shalt  }
0x87: {  	_ =	shalt  }
.Lfunc_end0:
.L_simem_size_0:
called_computation_lowered:
.L_overlay_start_0:
0x88: {  	s2 =	sld [smem:$0x3FD9]  }
0x89: {  	s3 =	sld [smem:$0x3FFE];
	_ =	sdelay $0x1  }
0x8a: {  	s1 =	srdreg.scid  }
0x8b: {  	s0 =	sand.u32 $0x1, s1  }
0x8c: {  	s18 =	sshll.u32 s0, $0xA;
	s2 =	sadd.s32 s3, s2  }
0x8d: {  	s2 =	sadd.s32 s2, s18  }
0x8e: {  	[smem:$0x3FC6] =	sst s2  }
0x8f: {  	_ = 	snop  }
0x90: {  	s2 =	sld [smem:$0x3FC9]  }
0x91: {  	s19 =	sld [smem:$0x3FC8]  }
0x92: {  	s4 =	sld [smem:$0x3FD0];
	(tm) =	ssettm $0x1  }
0x93: {  	s5 =	sld [smem:$0x3FFB];
	_ =	sdelay $0x3  }
0x94: {  	_ =	strace s5  }
0x95: {  	s5 =	sld [smem:$0x3FFC];
	_ =	sdelay $0x3  }
0x96: {  	_ =	strace s5  }
0x97: {  	s5 =	sld [smem:$0x3FFD];
	_ =	sdelay $0x3  }
0x98: {  	_ =	strace s5  }
0x99: {  	_ =	strace $0x8FFFFFFF  }
0x9a: {  	s20 =	sld [smem:$0x3FDB];
	_ =	sdelay $0x1  }
0x9b: {  	s6 =	simm.s32 $_scs_section_size  }
0x9c: {  	s7 =	simm.s32 $_size__tile_overlayer_lowered;
	s8 =	simm.s32 $_tile_overlayer_lowered  }
0x9d: {  	s23 =	simm.s32 $0x1BFF;
	s22 =	sshll.u32 s8, $0x1;
	s5 =	sadd.s32 s6, s20  }
0x9e: {  	s9 =	simm.s32 $0x0;
	s21 =	sshll.u32 s7, $0x1;
	s7 =	sadd.s32 s22, s5  }
0x9f: {  	[timem:s9], [sflag:s23] =	dma.local [hbm:s7], s21  }
0xa0: {  	_ =	swait.ge [sflag:s23], s21  }
0xa1: {  	s6 =	ssub.s32 $0x0, s21;
	[sflag:s23] =	ssyncset.done $0x0  }
0xa2: {  	[sflag:s23] =	ssyncadd.s32 s6;
	_ =	sdelay $0x1  }
0xa3: {  	s24 =	simm.s32 $0x1B8B  }
0xa4: {  	_ =	swait.ge [sflag:s24], $0x1  }
0xa5: {  	[sflag:s24] =	ssyncset.done $0x0  }
0xa6: {  	s25 =	simm.s32 $0x1B8E;
	[sflag:s24] =	ssyncadd.s32 $0xFFFFFFFF  }
0xa7: {  	s26 =	simm.s32 $execute0_lowered;
	[smem:$0x3FD2] =	sst s25  }
0xa8: {  	s6 =	sshll.u32 s26, $0x1;
	_ =	strace $0x80000046;
	[dreg:$0x1] =	wrdreg $0xFFFFFFFF  }
0xa9: {  	s28 =	simm.s32 $_size_execute0_lowered;
	s5 =	sadd.s32 s5, s6;
	[dreg:$0x0] =	wrdreg $0x0  }
0xaa: {  	s6 =	sshll.u32 s28, $0x1;
	[dreg:$0x2] =	wrdreg s5  }
0xab: {  	[dreg:$0x3] =	wrdreg s6  }
0xac: {  	[dreg:$0x4] =	wrdreg $0xC0  }
0xad: {  	_ =	task [dreg:s9], $0x5FFFF  }
0xae: {  	[dreg:$0x1] =	wrdreg $0xFFFFFFFF  }
0xaf: {  	[dreg:$0x0] =	wrdreg $0x60  }
0xb0: {  	[dreg:$0x2] =	wrdreg s2  }
0xb1: {  	[dreg:$0x3] =	wrdreg s19  }
0xb2: {  	[dreg:$0x4] =	wrdreg s4  }
0xb3: {  	[dreg:$0x5] =	wrdreg $0x25000  }
0xb4: {  	[dreg:$0x6] =	wrdreg $0x9  }
0xb5: {  	_ =	task.clear_ibuf [dreg:s9], $0x7FFFF;
	_ =	strace $0x90000046  }
0xb6: {  	s29 =	simm.s32 $0x9;
	_ =	strace $0x80000048  }
0xb7: {  	_ =	swait.ge [sflag:s29], $0x1  }
0xb8: {  	[sflag:s29] =	ssyncadd.s32 $0xFFFFFFFF  }
0xb9: {  	_ =	strace $0x90000048  }
0xba: {  	_ =	sfence  }
0xbb: {  	s30 =	sld [smem:$0x0];
	_ =	sdelay $0x2  }
0xbc: {  	s31 =	sshll.u32 s1, $0xD;
	s1 =	sshrl.u32 s1, $0x2  }
0xbd: {  	s3 =	sand.u32 $0x4000, s31;
	s1 =	sadd.s32 s1, s30  }
0xbe: {  	s0 =	sor.u32 s3, s0;
	s1 =	sshll.u32 s1, $0x11  }
0xbf: {  	s0 =	sor.u32 s1, s0  }
0xc0: {  	s0 =	sadd.s32 $0x8F2B, s0  }
0xc1: {  	[sflag:s0] =	ssyncadd.remote.s32 $0x1  }
0xc2: {  	_ =	sfence.sel $0xFFFF  }
0xc3: {  	[dreg:$0x0] =	wrdreg $0xFFFFFFFF;
	(pc) =	sbr.abs _section_cstart, $3  }
0xc4: {  	[dreg:$0x1] =	wrdreg $0xFFFFFFFF  }
0xc5: {  	_ =	task.clear_ibuf [dreg:s9], $0x2FFFF;
	_ =	strace $0x9FFFFFFF  }
0xc6: {  	(tm) =	ssettm $0x7FFFFFFF  }
0xc7: {  	_ =	shalt  }
tec
execute0_lowered:
.L_overlay_start_1:
0x0: {  	(tag) =	ssettag $0x1  }
0x1: {  	s5 =	rddreg [dreg:$0x0]  }
0x2: {  	s4 =	rddreg [dreg:$0x1]  }
0x3: {  	s9 =	rddreg [dreg:$0x2]  }
0x4: {  	s2 =	rddreg [dreg:$0x3];
	s3 =	srdreg.scid  }
0x5: {  	s0 =	rddreg [dreg:$0x4];
	s1 =	stileid.u32;
	s14 =	simm.s32 $0x1D00  }
0x6: {  	s15 =	simm.s32 $0x2100;
	s16 =	simm.s32 $0x1;
	s17 =	simm.s32 $0x800  }
0x7: {  	s19 =	simm.s32 $0x200;
	s20 =	simm.s32 $0x2;
	s21 =	simm.s32 $0xD00  }
0x8: {  	s22 =	simm.s32 $0xC00;
	s23 =	simm.s32 $0x0;
	s6 =	sand.u32 $0x1, s3  }
0x9: {  	s3 =	simm.s32 $0x0;
	s7 =	sshrl.u32 s1, $0x2;
	s10 =	sand.u32 $0x3, s1  }
0xa: {  	s8 =	sshll.u32 s6, $0x2;
	[smem:$0x7FF] =	sst s3;
	s6 =	ssub.s32 $0x2, s6  }
0xb: {  	s12 =	sshll.u32 s10, $0x8;
	s18 =	sshll.u32 s10, $0xE;
	s8 =	sor.u32 s7, s8  }
0xc: {  	_ =	strace $0x80000047;
	s13 =	sshrl.u32 s6, $0x1;
	s7 =	sshll.u32 s7, $0x7  }
0xd: {  	s18 =	sshrl.u32 s18, $0x2;
	s11 =	sshll.u32 s8, $0xA;
	s13 =	ssub.s32 s6, s13  }
0xe: {  	s30 =	sshll.u32 s8, $0x7;
	s8 =	sor.u32 $0x400, s12;
	s11 =	sor.u32 s12, s11  }
0xf: {  	s5 =	sadd.s32 s5, s30;
	s10 =	smax.u32 s13, $0x1;
	s12 =	simm.s32 $0x80  }
0x10: {  	s13 =	simm.s32 $0x100;
	s4 =	sadd.s32 s4, s11;
	s31 =	sshrl.u32 s11, $0x3  }
0x11: {  	v0 =	vimm.f32 $0.0e+00;
	s11 =	simm.s32 $0x400;
	s6 =	sadd.s32 $0x10, s4;
	s9 =	sadd.s32 s9, s31  }
.LBB2_1:
0x12: {  	[tilespmem:s3], [sflag:$0x1] =	stream.linear.gather [hbm4b:s5+s3], $0x400, $0x38;
	[tilespmem:$0x2D00] =	vst v63  }
0x13: {  	_ = 	snop  }
0x14: {  	[tilespmem:s11], [sflag:$0x1] =	stream.linear.gather [hbm4b:s5+s3], $0x400, $0x38;
	[tilespmem:$0x2D00] =	vst v63  }
0x15: {  	_ = 	snop  }
0x16: {  	[tilespmem:s14], [sflag:$0x1] =	stream.strided.gather [hbm4b:s4+s12], $0x400, s13, s12, $0x38;
	[tilespmem:$0x2D00] =	vst v63  }
0x17: {  	_ = 	snop  }
0x18: {  	[tilespmem:s15], [sflag:$0x1] =	stream.strided.gather [hbm4b:s6+s12], $0x400, s13, s12, $0x38;
	[tilespmem:$0x2D00] =	vst v63  }
0x19: {  	_ =	swait.ge [sflag:s16], $0x400  }
0x1a: {  	[sflag:s16] =	ssyncset.done $0x0  }
0x1b: {  	[sflag:s16] =	ssyncadd.s32 $0xFFFFFC00  }
0x1c: {  	_ =	swait.ge [sflag:s16], $0x400  }
0x1d: {  	[sflag:s16] =	ssyncset.done $0x0  }
0x1e: {  	[sflag:s16] =	ssyncadd.s32 $0xFFFFFC00  }
0x1f: {  	_ =	swait.ge [sflag:s16], $0x400  }
0x20: {  	[sflag:s16] =	ssyncset.done $0x0  }
0x21: {  	[sflag:s16] =	ssyncadd.s32 $0xFFFFFC00  }
0x22: {  	_ =	swait.ge [sflag:s16], $0x400  }
0x23: {  	[sflag:s16] =	ssyncset.done $0x0  }
0x24: {  	[sflag:s16] =	ssyncadd.s32 $0xFFFFFC00  }
0x25: {  	s24 =	simm.s32 $0x0;
	s25 =	simm.s32 $0x800;
	[tilespmem:s17+$0x0] =	vst v0  }
.LBB2_2:
0x26: {  	s24 =	sadd.s32 $0x10, s24  }
0x27: {  	p0 =	slt.u32 s24, $0x3F0  }
.Ltmp0:
0x28: {  	_ = 	snop;
	(pc) =	sbr.rel @p0 .LBB2_2-.Ltmp0, $3  }
0x29: {  	_ =	sdelay $0x1  }
0x2a: {  	s25 =	sadd.s32 $0x10, s25  }
0x2b: {  	[tilespmem:s25+$0x0] =	vst v0  }
0x2c: {  	s24 =	simm.s32 $0x0  }
.LBB2_4:
0x2d: {  	s25 =	simm.s32 $0x1D10  }
0x2e: {  	s26 =	simm.s32 $0x2110;
	v17 =	vld [tilespmem:s25+$0x0]  }
0x2f: {  	v20 =	vld [tilespmem:s26+$0x0];
	_ =	sdelay $0x1  }
0x30: {  	v25 =	vld [tilespmem:s25+$0xFFFFFFF0]  }
0x31: {  	v2 =	vld [tilespmem:s26+$0xFFFFFFF0];
	_ =	sdelay $0x3  }
0x32: {  	v1 =	vld.idx.msk [tilespmem:v17+s11+$0x0], $0xffff  }
0x33: {  	v3 =	vld.idx.msk [tilespmem:v20+s11+$0x0], $0xffff;
	_ =	sdelay $0x1  }
0x34: {  	v4 =	vld.idx.msk [tilespmem:v25+s11+$0x0], $0xffff  }
0x35: {  	s29 =	simm.s32 $0x2130;
	v5 =	vld.idx.msk [tilespmem:v2+s11+$0x0], $0xffff  }
0x36: {  	s26 =	simm.s32 $0x1D30;
	v24 =	vld [tilespmem:s29+$0x0]  }
0x37: {  	v23 =	vld [tilespmem:s26+$0x0];
	v14 =	vsub.f32 v1, v3;
	_ =	sdelay $0x1  }
0x38: {  	v3 =	vld [tilespmem:s26+$0xFFFFFFF0];
	v6 =	vmul.f32 v14, v14  }
0x39: {  	v1 =	vld [tilespmem:s29+$0xFFFFFFF0];
	v18 =	vsub.f32 v4, v5  }
0x3a: {  	v4 =	vadd.f32 $9.999999970e-07, v6  }
0x3b: {  	v5 =	vmul.f32 v18, v18  }
0x3c: {  	v6 =	vshra.s32 v4, $0x1;
	v8 =	vmul.f32 $5.000000000e-01, v4  }
0x3d: {  	v10 =	vld.idx.msk [tilespmem:v24+s11+$0x0], $0xffff;
	v4 =	vadd.f32 $9.999999970e-07, v5;
	v9 =	vsub.s32 $0x5F3759DF, v6  }
0x3e: {  	v5 =	vld.idx.msk [tilespmem:v23+s11+$0x0], $0xffff;
	v6 =	vmul.f32 v9, v8  }
0x3f: {  	v7 =	vshra.s32 v4, $0x1;
	v13 =	vmul.f32 $5.000000000e-01, v4  }
0x40: {  	v4 =	vld.idx.msk [tilespmem:v3+s11+$0x0], $0xffff;
	v11 =	vsub.s32 $0x5F3759DF, v7;
	v7 =	vmul.f32 v9, v6  }
0x41: {  	s30 =	simm.s32 $0x1D50;
	v12 =	vld.idx.msk [tilespmem:v1+s11+$0x0], $0xffff;
	v15 =	vmul.f32 v11, v13  }
0x42: {  	s31 =	simm.s32 $0x2150;
	v6 =	vld [tilespmem:s30+$0x0];
	v16 =	vsub.f32 $1.500000000e+00, v7  }
0x43: {  	v27 =	vsub.f32 v5, v10;
	v15 =	vmul.f32 v11, v15;
	v7 =	vld [tilespmem:s31+$0x0]  }
0x44: {  	v9 =	vmul.f32 v9, v16  }
0x45: {  	v5 =	vld [tilespmem:s30+$0xFFFFFFF0];
	v10 =	vsub.f32 $1.500000000e+00, v15;
	v15 =	vmul.f32 v27, v27  }
0x46: {  	v12 =	vsub.f32 v4, v12;
	v4 =	vld [tilespmem:s31+$0xFFFFFFF0];
	v16 =	vmul.f32 v9, v8  }
0x47: {  	v10 =	vmul.f32 v11, v10;
	v11 =	vadd.f32 $9.999999970e-07, v15  }
0x48: {  	v15 =	vmul.f32 v12, v12;
	v16 =	vmul.f32 v16, v9  }
0x49: {  	v19 =	vmul.f32 v10, v13;
	v21 =	vshra.s32 v11, $0x1;
	v22 =	vmul.f32 $5.000000000e-01, v11  }
0x4a: {  	v11 =	vadd.f32 $9.999999970e-07, v15;
	v15 =	vld.idx.msk [tilespmem:v6+s11+$0x0], $0xffff;
	v21 =	vsub.s32 $0x5F3759DF, v21;
	v16 =	vsub.f32 $1.500000000e+00, v16  }
0x4b: {  	v19 =	vmul.f32 v19, v10;
	v26 =	vld.idx.msk [tilespmem:v7+s11+$0x0], $0xffff;
	v28 =	vmul.f32 v21, v22  }
0x4c: {  	v29 =	vshra.s32 v11, $0x1;
	v30 =	vmul.f32 $5.000000000e-01, v11;
	v31 =	vmul.f32 v16, v9  }
0x4d: {  	v9 =	vsub.f32 $1.500000000e+00, v19;
	v19 =	vsub.s32 $0x5F3759DF, v29;
	v29 =	vld.idx.msk [tilespmem:v5+s11+$0x0], $0xffff;
	v11 =	vmul.f32 v21, v28  }
0x4e: {  	s29 =	simm.s32 $0x1D70;
	v28 =	vld.idx.msk [tilespmem:v4+s11+$0x0], $0xffff;
	v16 =	vmul.f32 v19, v30;
	v8 =	vmul.f32 v31, v8  }
0x4f: {  	s30 =	simm.s32 $0x2170;
	v32 =	vmul.f32 v9, v10;
	v10 =	vld [tilespmem:s29+$0x0];
	v9 =	vsub.f32 $1.500000000e+00, v11  }
0x50: {  	v11 =	vld [tilespmem:s30+$0x0];
	v33 =	vmul.f32 v19, v16;
	v16 =	vsub.f32 v15, v26;
	v8 =	vmul.f32 v8, v31  }
0x51: {  	v13 =	vmul.f32 v32, v13;
	v15 =	vmul.f32 v21, v9  }
0x52: {  	v21 =	vsub.f32 $1.500000000e+00, v33;
	v49 =	vmul.f32 v16, v16;
	v26 =	vsub.f32 $1.500000000e+00, v8  }
0x53: {  	v9 =	vld [tilespmem:s29+$0xFFFFFFF0];
	v34 =	vmul.f32 v13, v32;
	v35 =	vmul.f32 v15, v22;
	v13 =	vsub.f32 v29, v28  }
0x54: {  	v8 =	vld [tilespmem:s30+$0xFFFFFFF0];
	v19 =	vmul.f32 v19, v21;
	v21 =	vmul.f32 v26, v31;
	v26 =	vadd.f32 $9.999999970e-07, v49  }
0x55: {  	v28 =	vmul.f32 v35, v15;
	v31 =	vmul.f32 v13, v13;
	v34 =	vsub.f32 $1.500000000e+00, v34  }
0x56: {  	v29 =	vmul.f32 v19, v30;
	v33 =	vshra.s32 v26, $0x1;
	v50 =	vmul.f32 $5.000000000e-01, v26  }
0x57: {  	v26 =	vld.idx.msk [tilespmem:v10+s11+$0x0], $0xffff;
	v28 =	vsub.f32 $1.500000000e+00, v28;
	v31 =	vadd.f32 $9.999999970e-07, v31;
	v38 =	vmul.f32 v21, v14  }
0x58: {  	v36 =	vld.idx.msk [tilespmem:v11+s11+$0x0], $0xffff;
	v32 =	vmul.f32 v34, v32;
	v33 =	vsub.s32 $0x5F3759DF, v33;
	v29 =	vmul.f32 v29, v19  }
0x59: {  	s25 =	simm.s32 $0x2190;
	v37 =	vmul.f32 v33, v50;
	v28 =	vmul.f32 v28, v15;
	[tilespmem:v17+s17+$0x0] =	vst.idx.add.f32.msk $0xffff, v38  }
0x5a: {  	v15 =	vshra.s32 v31, $0x1;
	v21 =	vmul.f32 $5.000000000e-01, v31;
	v55 =	vmul.f32 v32, v18;
	v17 =	vld [tilespmem:s25+$0xFFFFFFF0]  }
0x5b: {  	v14 =	vsub.f32 $1.500000000e+00, v29;
	v29 =	vld.idx.msk [tilespmem:v9+s11+$0x0], $0xffff;
	v39 =	vsub.s32 $0x5F3759DF, v15;
	v31 =	vmul.f32 v33, v37  }
0x5c: {  	v51 =	vld.idx.msk [tilespmem:v8+s11+$0x0], $0xffff;
	v40 =	vmul.f32 v28, v22;
	v41 =	vmul.f32 v39, v21  }
0x5d: {  	s31 =	simm.s32 $0x1D90;
	v15 =	vld [tilespmem:s25+$0x0];
	v22 =	vmul.f32 v14, v19;
	v19 =	vsub.f32 v26, v36;
	v31 =	vsub.f32 $1.500000000e+00, v31  }
0x5e: {  	v14 =	vld [tilespmem:s31+$0x0];
	v26 =	vsub.f32 $0.0e+00, v38;
	v52 =	vmul.f32 v40, v28;
	v53 =	vmul.f32 v39, v41  }
0x5f: {  	v30 =	vmul.f32 v22, v30;
	v31 =	vmul.f32 v33, v31  }
0x60: {  	v56 =	vmul.f32 v19, v19;
	[tilespmem:v20+s17+$0x0] =	vst.idx.add.f32.msk $0xffff, v26;
	v54 =	vsub.f32 $1.500000000e+00, v52;
	v36 =	vsub.f32 $1.500000000e+00, v53  }
0x61: {  	v18 =	vld [tilespmem:s31+$0xFFFFFFF0];
	v30 =	vmul.f32 v30, v22;
	v20 =	vsub.f32 v29, v51;
	v57 =	vmul.f32 v31, v50  }
0x62: {  	v29 =	vadd.f32 $9.999999970e-07, v56;
	v33 =	vmul.f32 v54, v28;
	v28 =	vmul.f32 v39, v36  }
0x63: {  	[tilespmem:v25+s17+$0x0] =	vst.idx.add.f32.msk $0xffff, v55;
	v26 =	vsub.f32 $1.500000000e+00, v30;
	v58 =	vmul.f32 v20, v20;
	v25 =	vmul.f32 v57, v31  }
0x64: {  	v34 =	vld.idx.msk [tilespmem:v17+s11+$0x0], $0xffff;
	v59 =	vshra.s32 v29, $0x1;
	v33 =	vmul.f32 v33, v27;
	v60 =	vmul.f32 v28, v21  }
0x65: {  	v32 =	vld.idx.msk [tilespmem:v15+s11+$0x0], $0xffff;
	v27 =	vmul.f32 $5.000000000e-01, v29;
	v29 =	vsub.s32 $0x5F3759DF, v59;
	v25 =	vsub.f32 $1.500000000e+00, v25  }
0x66: {  	v30 =	vld.idx.msk [tilespmem:v14+s11+$0x0], $0xffff;
	v36 =	vadd.f32 $9.999999970e-07, v58;
	v61 =	vsub.f32 $0.0e+00, v33;
	v62 =	vmul.f32 v60, v28  }
0x67: {  	[tilespmem:v23+s17+$0x0] =	vst.idx.add.f32.msk $0xffff, v33;
	v23 =	vsub.f32 $0.0e+00, v55;
	v63 =	vmul.f32 v29, v27;
	v25 =	vmul.f32 v25, v31  }
0x68: {  	[tilespmem:v24+s17+$0x0] =	vst.idx.add.f32.msk $0xffff, v61;
	v31 =	vshra.s32 v36, $0x1;
	v24 =	vmul.f32 $5.000000000e-01, v36;
	v37 =	vsub.f32 $1.500000000e+00, v62  }
0x69: {  	s28 =	simm.s32 $0x1DB0;
	s26 =	simm.s32 $0x80;
	v33 =	vld.idx.msk [tilespmem:v18+s11+$0x0], $0xffff;
	v36 =	vmul.f32 v29, v63;
	v31 =	vsub.s32 $0x5F3759DF, v31;
	v35 =	vmul.f32 v25, v50  }
.LBB2_5:
0x6a: {  	v39 =	vmul.f32 v31, v24;
	v28 =	vmul.f32 v37, v28;
	v40 =	vmovc v15;
	v37 =	vmovc v3;
	v3 =	vmov v5  }
0x6b: {  	v38 =	vld [tilespmem:s28+$0x0];
	s25 =	sadd.s32 $0x20, s25;
	v5 =	vmovc v9;
	v9 =	vmovc v18;
	v41 =	vmov v27;
	v18 =	vmov v21;
	v21 =	vmov v24  }
0x6c: {  	v26 =	vmul.f32 v26, v22;
	v15 =	vld [tilespmem:s25+$0x0];
	v24 =	vsub.f32 $1.500000000e+00, v36;
	v27 =	vmul.f32 v35, v25  }
0x6d: {  	v36 =	vsub.f32 v30, v32;
	v35 =	vld [tilespmem:s25+$0xFFFFFFF0];
	v30 =	vmul.f32 v31, v39;
	v32 =	vmul.f32 v28, v18;
	v22 =	vmovc v28  }
0x6e: {  	s26 =	sadd.s32 $0x20, s26;
	v18 =	vld [tilespmem:s28+$0xFFFFFFF0];
	v24 =	vmul.f32 v29, v24;
	v27 =	vsub.f32 $1.500000000e+00, v27;
	v29 =	vmul.f32 v26, v12;
	v12 =	vmovc v13;
	v13 =	vmovc v20  }
0x6f: {  	p0 =	slt.u32 s26, $0x3E0;
	v26 =	vmul.f32 v36, v36;
	v28 =	vsub.f32 $1.500000000e+00, v30;
	v30 =	vmul.f32 v32, v22;
	[tilespmem:v2+s17+$0x0] =	vst.idx.add.f32.msk $0xffff, v23  }
0x70: {  	v20 =	vsub.f32 v33, v34;
	v2 =	vmovc v1;
	v23 =	vmul.f32 v24, v41;
	v25 =	vmul.f32 v27, v25  }
0x71: {  	v1 =	vmovc v4;
	v27 =	vadd.f32 $9.999999970e-07, v26;
	v28 =	vmul.f32 v31, v28;
	v26 =	vsub.f32 $1.500000000e+00, v30;
	[tilespmem:v37+s17+$0x0] =	vst.idx.add.f32.msk $0xffff, v29  }
0x72: {  	v4 =	vmovc v8;
	v8 =	vmovc v17;
	v31 =	vmul.f32 v23, v24;
	v25 =	vmul.f32 v25, v16;
	v23 =	vsub.f32 $0.0e+00, v29  }
0x73: {  	v29 =	vmul.f32 v20, v20;
	v33 =	vshra.s32 v27, $0x1;
	v17 =	vmovc v35;
	v30 =	vld.idx.msk [tilespmem:v38+s11+$0x0], $0xffff;
	v34 =	vmul.f32 v28, v21  }
.Ltmp1:
0x74: {  	v27 =	vmul.f32 $5.000000000e-01, v27;
	v16 =	vmovc v19;
	v19 =	vmovc v36;
	v32 =	vld.idx.msk [tilespmem:v15+s11+$0x0], $0xffff;
	v31 =	vsub.f32 $1.500000000e+00, v31;
	v35 =	vsub.f32 $0.0e+00, v25;
	(pc) =	sbr.rel @p0 .LBB2_5-.Ltmp1, $4  }
0x75: {  	v36 =	vadd.f32 $9.999999970e-07, v29;
	v29 =	vsub.s32 $0x5F3759DF, v33;
	v34 =	vmul.f32 v34, v28;
	[tilespmem:v6+s17+$0x0] =	vst.idx.add.f32.msk $0xffff, v25;
	v6 =	vmovc v10  }
0x76: {  	v39 =	vmul.f32 v29, v27;
	v10 =	vmov v14;
	v25 =	vmul.f32 v31, v24;
	[tilespmem:v7+s17+$0x0] =	vst.idx.add.f32.msk $0xffff, v35  }
0x77: {  	v14 =	vmovc v38;
	v31 =	vshra.s32 v36, $0x1;
	v24 =	vmul.f32 $5.000000000e-01, v36;
	v7 =	vmovc v11;
	v33 =	vld.idx.msk [tilespmem:v18+s11+$0x0], $0xffff;
	v37 =	vsub.f32 $1.500000000e+00, v34  }
0x78: {  	s28 =	sadd.s32 $0x20, s28;
	v11 =	vmovc v40;
	v31 =	vsub.s32 $0x5F3759DF, v31;
	v36 =	vmul.f32 v29, v39;
	v34 =	vld.idx.msk [tilespmem:v17+s11+$0x0], $0xffff;
	v35 =	vmul.f32 v25, v41  }
0x79: {  	_ =	sdelay $0x1  }
0x7a: {  	v30 =	vsub.f32 v30, v32;
	_ =	sdelay $0x1  }
0x7b: {  	v32 =	vmul.f32 v30, v30;
	v33 =	vsub.f32 v33, v34;
	_ =	sdelay $0x1  }
0x7c: {  	v39 =	vmul.f32 v31, v24;
	v32 =	vadd.f32 $9.999999970e-07, v32;
	v34 =	vmul.f32 v33, v33  }
0x7d: {  	v28 =	vmul.f32 v37, v28;
	v22 =	vmul.f32 v26, v22;
	v36 =	vsub.f32 $1.500000000e+00, v36  }
0x7e: {  	v38 =	vshra.s32 v32, $0x1;
	v32 =	vmul.f32 $5.000000000e-01, v32;
	v34 =	vadd.f32 $9.999999970e-07, v34  }
0x7f: {  	v35 =	vmul.f32 v35, v25;
	v39 =	vmul.f32 v31, v39;
	v38 =	vsub.s32 $0x5F3759DF, v38  }
0x80: {  	v63 =	vmul.f32 v38, v32;
	v40 =	vshra.s32 v34, $0x1;
	v34 =	vmul.f32 $5.000000000e-01, v34  }
0x81: {  	v12 =	vmul.f32 v22, v12;
	v43 =	vsub.f32 $1.500000000e+00, v39;
	v40 =	vsub.s32 $0x5F3759DF, v40  }
0x82: {  	v37 =	vmul.f32 v38, v63;
	v42 =	vmul.f32 v40, v34  }
0x83: {  	v29 =	vmul.f32 v29, v36;
	v26 =	vmul.f32 v31, v43  }
0x84: {  	v21 =	vmul.f32 v28, v21;
	v37 =	vsub.f32 $1.500000000e+00, v37;
	v36 =	vmul.f32 v40, v42  }
0x85: {  	v44 =	vmul.f32 v29, v27;
	v47 =	vmul.f32 v26, v24  }
0x86: {  	v21 =	vmul.f32 v21, v28;
	v45 =	vmul.f32 v38, v37;
	v36 =	vsub.f32 $1.500000000e+00, v36  }
0x87: {  	v35 =	vsub.f32 $1.500000000e+00, v35;
	v46 =	vmul.f32 v44, v29;
	v22 =	vmul.f32 v47, v26  }
0x88: {  	v38 =	vmul.f32 v45, v32;
	v36 =	vmul.f32 v40, v36  }
0x89: {  	v50 =	vmul.f32 v35, v25;
	v22 =	vsub.f32 $1.500000000e+00, v22;
	v37 =	vsub.f32 $1.500000000e+00, v46  }
0x8a: {  	v48 =	vmul.f32 v38, v45;
	v49 =	vmul.f32 v36, v34  }
0x8b: {  	v21 =	vsub.f32 $1.500000000e+00, v21;
	v22 =	vmul.f32 v22, v26;
	v29 =	vmul.f32 v37, v29  }
0x8c: {  	v16 =	vmul.f32 v50, v16;
	v52 =	vsub.f32 $1.500000000e+00, v48;
	v53 =	vmul.f32 v49, v36  }
0x8d: {  	v54 =	vmul.f32 v22, v24;
	v51 =	vmul.f32 v29, v27  }
0x8e: {  	v21 =	vmul.f32 v21, v28;
	v31 =	vmul.f32 v52, v45;
	v55 =	vsub.f32 $1.500000000e+00, v53  }
0x8f: {  	[tilespmem:v2+s17+$0x0] =	vst.idx.add.f32.msk $0xffff, v23;
	v2 =	vmul.f32 v54, v22;
	v27 =	vmul.f32 v51, v29  }
0x90: {  	[tilespmem:v3+s17+$0x0] =	vst.idx.add.f32.msk $0xffff, v12;
	v12 =	vsub.f32 $0.0e+00, v12;
	v57 =	vmul.f32 v31, v32;
	v58 =	vmul.f32 v55, v36  }
0x91: {  	v3 =	vsub.f32 $0.0e+00, v16;
	v61 =	vmul.f32 v21, v13;
	v2 =	vsub.f32 $1.500000000e+00, v2  }
0x92: {  	[tilespmem:v1+s17+$0x0] =	vst.idx.add.f32.msk $0xffff, v12;
	v56 =	vsub.f32 $1.500000000e+00, v27;
	v60 =	vmul.f32 v57, v31;
	v62 =	vmul.f32 v58, v34  }
0x93: {  	[tilespmem:v6+s17+$0x0] =	vst.idx.add.f32.msk $0xffff, v16;
	v6 =	vsub.f32 $0.0e+00, v61;
	v2 =	vmul.f32 v2, v22  }
0x94: {  	[tilespmem:v7+s17+$0x0] =	vst.idx.add.f32.msk $0xffff, v3;
	v59 =	vmul.f32 v56, v29;
	v63 =	vsub.f32 $1.500000000e+00, v60;
	v1 =	vmul.f32 v62, v58  }
0x95: {  	[tilespmem:v5+s17+$0x0] =	vst.idx.add.f32.msk $0xffff, v61;
	v2 =	vmul.f32 v2, v20  }
0x96: {  	[tilespmem:v4+s17+$0x0] =	vst.idx.add.f32.msk $0xffff, v6;
	v3 =	vmul.f32 v59, v19;
	v7 =	vmul.f32 v63, v31;
	v1 =	vsub.f32 $1.500000000e+00, v1  }
0x97: {  	[tilespmem:v9+s17+$0x0] =	vst.idx.add.f32.msk $0xffff, v2;
	v2 =	vsub.f32 $0.0e+00, v2  }
0x98: {  	v5 =	vsub.f32 $0.0e+00, v3;
	[tilespmem:v10+s17+$0x0] =	vst.idx.add.f32.msk $0xffff, v3;
	v3 =	vmul.f32 v7, v30;
	v1 =	vmul.f32 v1, v58  }
0x99: {  	[tilespmem:v8+s17+$0x0] =	vst.idx.add.f32.msk $0xffff, v2  }
0x9a: {  	s25 =	sshll.u32 s24, $0xE;
	[tilespmem:v11+s17+$0x0] =	vst.idx.add.f32.msk $0xffff, v5;
	v4 =	vsub.f32 $0.0e+00, v3;
	v1 =	vmul.f32 v1, v33  }
0x9b: {  	s25 =	sand.u32 $0x4000, s25;
	[tilespmem:v14+s17+$0x0] =	vst.idx.add.f32.msk $0xffff, v3  }
0x9c: {  	s25 =	sadd.s32 s25, s2;
	[tilespmem:v15+s17+$0x0] =	vst.idx.add.f32.msk $0xffff, v4;
	v2 =	vsub.f32 $0.0e+00, v1  }
0x9d: {  	s26 =	sadd.s32 s7, s25;
	[tilespmem:v18+s17+$0x0] =	vst.idx.add.f32.msk $0xffff, v1  }
0x9e: {  	s25 =	simm.s32 $0x800;
	s28 =	sadd.s32 s18, s26;
	[tilespmem:v17+s17+$0x0] =	vst.idx.add.f32.msk $0xffff, v2  }
0x9f: {  	[spmem:s28] =	stream.strided.scatter [tilespmem:s25], [sflag:$0x2], $0x400, s19, s12, $0x38;
	[tilespmem:$0x2D00] =	vst v63  }
0xa0: {  	_ =	swait.ge [sflag:s20], $0x400  }
0xa1: {  	[sflag:s20] =	ssyncset.done $0x0  }
0xa2: {  	[sflag:s20] =	ssyncadd.s32 $0xFFFFFC00  }
0xa3: {  	s28 =	simm.s32 $0x400;
	[bflag:$0x0] =	sbarrier.arrive $0xFFFF  }
0xa4: {  	[tilespmem:s21], [sflag:$0x1] =	stream.strided.gather [spmem:s26], $0x1000, s19, s12, $0x38;
	[tilespmem:$0x2D00] =	vst v63  }
0xa5: {  	s26 =	simm.s32 $0x0;
	v2 =	vld [tilespmem:s28+$0x0]  }
0xa6: {  	v3 =	vld [tilespmem:s26+$0x0];
	_ =	sdelay $0x4  }
0xa7: {  	s29 =	simm.s32 $0x10;
	v3 =	vsub.f32 v2, v3  }
0xa8: {  	s26 =	simm.s32 $0x410;
	v4 =	vld [tilespmem:s29+$0x0]  }
0xa9: {  	v1 =	vld [tilespmem:s26+$0x0];
	v3 =	vmul.f32 $-1.000000010e-01, v3  }
0xaa: {  	s29 =	simm.s32 $0x420  }
0xab: {  	v5 =	vadd.f32 v3, v2;
	v2 =	vld [tilespmem:s29+$0x0];
	_ =	sdelay $0x2  }
0xac: {  	s30 =	simm.s32 $0x20;
	s31 =	simm.s32 $0x20;
	v3 =	vsub.f32 v1, v4;
	[tilespmem:s28+$0x0] =	vst v5;
	s28 =	simm.s32 $0x420  }
.LBB2_7:
0xad: {  	s30 =	sadd.s32 $0x10, s30  }
0xae: {  	v4 =	vld [tilespmem:s31+$0x0];
	s29 =	sadd.s32 $0x10, s29;
	[tilespmem:s25+$0x0] =	vst v0;
	s25 =	sadd.s32 $0x10, s25;
	v5 =	vmov v2;
	p0 =	slt.u32 s30, $0x3F0  }
.Ltmp2:
0xaf: {  	v2 =	vld [tilespmem:s29+$0x0];
	v3 =	vmul.f32 $-1.000000010e-01, v3;
	(pc) =	sbr.rel @p0 .LBB2_7-.Ltmp2, $3  }
0xb0: {  	_ = 	snop  }
0xb1: {  	v6 =	vadd.f32 v3, v1;
	v1 =	vmov v5;
	_ =	sdelay $0x1  }
0xb2: {  	s31 =	sadd.s32 $0x10, s31;
	v3 =	vsub.f32 v1, v4;
	[tilespmem:s26+$0x0] =	vst v6;
	s26 =	smov.u32 s28;
	s28 =	smov.u32 s29  }
0xb3: {  	v4 =	vld [tilespmem:s31+$0x0];
	_ =	sdelay $0x4  }
0xb4: {  	v3 =	vmul.f32 $-1.000000010e-01, v3;
	v4 =	vsub.f32 v2, v4;
	_ =	sdelay $0x1  }
0xb5: {  	v1 =	vadd.f32 v3, v1;
	v3 =	vmul.f32 $-1.000000010e-01, v4  }
0xb6: {  	[tilespmem:s25+$0x0] =	vst v0  }
0xb7: {  	s31 =	sadd.s32 $0x10, s25;
	[tilespmem:s26+$0x0] =	vst v1;
	v1 =	vadd.f32 v3, v2  }
0xb8: {  	[tilespmem:s31+$0x0] =	vst v0  }
0xb9: {  	s25 =	sadd.s32 $0x10, s31;
	[tilespmem:s28+$0x0] =	vst v1  }
0xba: {  	[tilespmem:s25+$0x0] =	vst v0  }
0xbb: {  	_ =	swait.ge [sflag:s16], $0x1000  }
0xbc: {  	[sflag:s16] =	ssyncset.done $0x0  }
0xbd: {  	s30 =	simm.s32 $0xD00;
	s31 =	simm.s32 $0x0;
	[sflag:s16] =	ssyncadd.s32 $0xFFFFF000  }
0xbe: {  	v4 =	vld [tilespmem:s30+$0x0];
	s30 =	sand.u32 $0x3F0, s31  }
0xbf: {  	v5 =	vld [tilespmem:s30+$0x1100]  }
0xc0: {  	v6 =	vld [tilespmem:s30+$0x1500]  }
0xc1: {  	v7 =	vld [tilespmem:s30+$0x1900];
	_ =	sdelay $0x1  }
0xc2: {  	s25 =	simm.s32 $0x400  }
0xc3: {  	s29 =	simm.s32 $0xD10;
	s28 =	simm.s32 $0x10;
	v1 =	vld [tilespmem:s25+$0x0]  }
0xc4: {  	v2 =	vld [tilespmem:s29+$0x0];
	s31 =	sand.u32 $0x3F0, s28  }
0xc5: {  	v3 =	vld [tilespmem:s31+$0x1100];
	v8 =	vadd.f32 v5, v4;
	v6 =	vadd.f32 v7, v6  }
0xc6: {  	v4 =	vld [tilespmem:s31+$0x1500]  }
0xc7: {  	s26 =	simm.s32 $0x410;
	v5 =	vld [tilespmem:s31+$0x1900];
	v6 =	vadd.f32 v6, v8  }
.LBB2_9:
0xc8: {  	s28 =	sadd.s32 $0x10, s28  }
0xc9: {  	v7 =	vld [tilespmem:s26+$0x0];
	s29 =	sadd.s32 $0x10, s29;
	v8 =	vmov v2;
	p0 =	slt.u32 s28, $0x3F0  }
.Ltmp3:
0xca: {  	v2 =	vld [tilespmem:s29+$0x0];
	s30 =	sand.u32 $0x3F0, s28;
	v6 =	vmul.f32 $-1.000000010e-01, v6;
	(pc) =	sbr.rel @p0 .LBB2_9-.Ltmp3, $4  }
0xcb: {  	v8 =	vadd.f32 v3, v8;
	v3 =	vld [tilespmem:s30+$0x1100]  }
0xcc: {  	v9 =	vadd.f32 v5, v4;
	v4 =	vld [tilespmem:s30+$0x1500];
	v10 =	vadd.f32 v6, v1  }
0xcd: {  	v5 =	vld [tilespmem:s30+$0x1900]  }
0xce: {  	v6 =	vadd.f32 v9, v8;
	[tilespmem:s25+$0x0] =	vst v10;
	v1 =	vmov v7;
	s25 =	smov.u32 s26;
	s26 =	sadd.s32 $0x10, s26  }
0xcf: {  	_ =	sdelay $0x2  }
0xd0: {  	v2 =	vadd.f32 v3, v2;
	v3 =	vadd.f32 v5, v4  }
0xd1: {  	v63 =	vld [tilespmem:s26+$0x0]  }
0xd2: {  	s24 =	sadd.s32 $0x1, s24;
	v2 =	vadd.f32 v3, v2  }
0xd3: {  	p0 =	sne.s32 s24, $0xA;
	v3 =	vmul.f32 $-1.000000010e-01, v6  }
.Ltmp4:
0xd4: {  	v2 =	vmul.f32 $-1.000000010e-01, v2;
	(pc) =	sbr.rel @p0 .LBB2_4-.Ltmp4, $4  }
0xd5: {  	v1 =	vadd.f32 v3, v1  }
0xd6: {  	v2 =	vadd.f32 v2, v63  }
0xd7: {  	[tilespmem:s25+$0x0] =	vst v1  }
0xd8: {  	[tilespmem:s26+$0x0] =	vst v2  }
0xd9: {  	s25 =	simm.s32 $0x410  }
0xda: {  	v2 =	vld [tilespmem:s25+$0xFFFFFFF0];
	_ =	sdelay $0x1  }
0xdb: {  	v1 =	vld [tilespmem:s25+$0x0];
	_ =	sdelay $0x1  }
0xdc: {  	v3 =	vimm.f32 $-3.399999950e+38  }
0xdd: {  	s24 =	simm.s32 $0x20;
	s25 =	simm.s32 $0x430;
	v2 =	vmax.f32 v3, v2  }
.LBB2_12:
0xde: {  	s24 =	sadd.s32 $0x20, s24  }
0xdf: {  	v3 =	vld [tilespmem:s25+$0xFFFFFFF0];
	v2 =	vmax.f32 v2, v1;
	p0 =	slt.u32 s24, $0x3E0  }
.Ltmp5:
0xe0: {  	v1 =	vld [tilespmem:s25+$0x0];
	(pc) =	sbr.rel @p0 .LBB2_12-.Ltmp5, $2  }
0xe1: {  	_ =	sdelay $0x2  }
0xe2: {  	s25 =	sadd.s32 $0x20, s25;
	v2 =	vmax.f32 v2, v3  }
0xe3: {  	v3 =	vld [tilespmem:s25+$0xFFFFFFF0]  }
0xe4: {  	v4 =	vld [tilespmem:s25+$0x0];
	_ =	sdelay $0x2  }
0xe5: {  	v1 =	vmax.f32 v2, v1  }
0xe6: {  	v1 =	vmax.f32 v1, v3  }
0xe7: {  	v1 =	vmax.f32 v1, v4  }
0xe8: {  	(xrf0) =	vmax.scan.msk.f32 $0xffff, v1;
	_ =	sdelay $0x5  }
0xe9: {  	v1, _, _ =	vpop (xrf0)  }
0xea: {  	(v2sf) =	vpush v1, $0xF;
	_ =	sdelay $0xe  }
0xeb: {  	s24 =	spop (v2sf)  }
0xec: {  	s24 =	sadd.f32 $-1.000000000e+00, s24;
	_ =	sdelay $0x1  }
0xed: {  	s25 =	simm.s32 $0x0;
	s26 =	sadd.f32 $1.000000000e+00, s24  }
.LBB2_14:
0xee: {  	s28 =	simm.s32 $0x410  }
0xef: {  	s29 =	sadd.f32 s26, s24;
	v2 =	vld [tilespmem:s28+$0xFFFFFFF0]  }
0xf0: {  	v3 =	vld [tilespmem:s28+$0x0]  }
0xf1: {  	s28 =	smul.f32 $5.000000000e-01, s29;
	_ =	sdelay $0x1  }
0xf2: {  	v1 =	vmov s28  }
0xf3: {  	s29 =	simm.s32 $0x430;
	v2 =	vsub.f32 v2, v1  }
0xf4: {  	v5 =	vsub.f32 v3, v1;
	v3 =	vld [tilespmem:s29+$0xFFFFFFF0]  }
0xf5: {  	v4 =	vimm.f32 $0.0e+00;
	v6 =	vmax.f32 v2, $0.0e+00  }
0xf6: {  	s30 =	simm.s32 $0x20;
	v2 =	vld [tilespmem:s29+$0x0];
	v5 =	vmax.f32 v5, $0.0e+00;
	v4 =	vadd.f32 v6, v4  }
.LBB2_15:
0xf7: {  	s30 =	sadd.s32 $0x20, s30  }
0xf8: {  	v4 =	vadd.f32 v5, v4;
	p0 =	slt.u32 s30, $0x3E0  }
.Ltmp6:
0xf9: {  	s29 =	sadd.s32 $0x20, s29;
	v5 =	vsub.f32 v3, v1;
	(pc) =	sbr.rel @p0 .LBB2_15-.Ltmp6, $4  }
0xfa: {  	v3 =	vld [tilespmem:s29+$0xFFFFFFF0]  }
0xfb: {  	v5 =	vmax.f32 v5, $0.0e+00;
	v6 =	vsub.f32 v2, v1  }
0xfc: {  	v2 =	vld [tilespmem:s29+$0x0];
	v4 =	vadd.f32 v5, v4  }
0xfd: {  	v5 =	vmax.f32 v6, $0.0e+00  }
0xfe: {  	_ = 	snop  }
0xff: {  	v3 =	vsub.f32 v3, v1  }
0x100: {  	v4 =	vadd.f32 v5, v4  }
0x101: {  	v3 =	vmax.f32 v3, $0.0e+00;
	v1 =	vsub.f32 v2, v1  }
0x102: {  	v2 =	vadd.f32 v3, v4  }
0x103: {  	v1 =	vmax.f32 v1, $0.0e+00  }
0x104: {  	v1 =	vadd.f32 v1, v2;
	_ =	sdelay $0x1  }
0x105: {  	(xrf2) =	vadd.scan.msk.f32 $0xffff, v1;
	_ =	sdelay $0x9  }
0x106: {  	v1, _, _ =	vpop (xrf2)  }
0x107: {  	(v2sf) =	vpush v1, $0xF;
	_ =	sdelay $0xe  }
0x108: {  	s29 =	spop (v2sf)  }
0x109: {  	s29 =	sadd.f32 $-1.000000000e+00, s29;
	_ =	sdelay $0x1  }
0x10a: {  	p0 =	sge.f32 s29, $0.0e+00  }
0x10b: {  	s25 =	sadd.s32 $0x1, s25  }
0x10c: {  	s24 =	smov.u32 @p0 s28;
	s28 =	smov.u32 @p0 s26;
	p0 =	sne.s32 s25, $0xD  }
.Ltmp7:
0x10d: {  	_ = 	snop;
	(pc) =	sbr.rel @p0 .LBB2_14-.Ltmp7, $2  }
0x10e: {  	_ =	sdelay $0x2  }
0x10f: {  	s26 =	smov.u32 s28  }
0x110: {  	p1 =	por $0x1, $0x1  }
.LBB2_18:
0x111: {  	s25 =	simm.s32 $0x410  }
0x112: {  	v2 =	vld [tilespmem:s25+$0xFFFFFFF0]  }
0x113: {  	v6 =	vld [tilespmem:s25+$0x0];
	_ =	sdelay $0x3  }
0x114: {  	v1 =	vmov s24  }
0x115: {  	v3 =	vimm.f32 $0.0e+00;
	s24 =	simm.s32 $0x430;
	vm0 =	vgt.f32 v2, v1;
	vm15 =	vgt.f32 v6, v1  }
0x116: {  	v4 =	vnsel vm0, $0x0, v2;
	v2 =	vld [tilespmem:s24+$0xFFFFFFF0];
	v5 =	vsel vm0, $0x3F800000, v0;
	v6 =	vnsel vm15, $0x0, v6  }
0x117: {  	p0 =	por p1, p1;
	s25 =	simm.s32 $0x20;
	v7 =	vsel vm15, $0x3F800000, v0;
	v4 =	vadd.f32 v4, v3;
	v5 =	vadd.f32 v5, v3;
	v3 =	vld [tilespmem:s24+$0x0]  }
.LBB2_19:
0x118: {  	s25 =	sadd.s32 $0x20, s25  }
0x119: {  	v4 =	vadd.f32 v6, v4;
	v5 =	vadd.f32 v7, v5;
	p1 =	slt.u32 s25, $0x3E0  }
.Ltmp8:
0x11a: {  	(pc) =	sbr.rel @p1 .LBB2_19-.Ltmp8, $4  }
0x11b: {  	s24 =	sadd.s32 $0x20, s24;
	vm0 =	vgt.f32 v2, v1  }
0x11c: {  	v6 =	vnsel vm0, $0x0, v2;
	v2 =	vld [tilespmem:s24+$0xFFFFFFF0];
	v7 =	vsel vm0, $0x3F800000, v0  }
0x11d: {  	v4 =	vadd.f32 v6, v4;
	v5 =	vadd.f32 v7, v5;
	vm0 =	vgt.f32 v3, v1  }
0x11e: {  	v6 =	vnsel vm0, $0x0, v3;
	v3 =	vld [tilespmem:s24+$0x0];
	v7 =	vsel vm0, $0x3F800000, v0  }
0x11f: {  	_ =	sdelay $0x1  }
0x120: {  	v4 =	vadd.f32 v6, v4;
	vm0 =	vgt.f32 v2, v1  }
0x121: {  	v5 =	vadd.f32 v7, v5;
	v2 =	vnsel vm0, $0x0, v2  }
0x122: {  	v62 =	vsel vm0, $0x3F800000, v0;
	v2 =	vadd.f32 v2, v4;
	vm15 =	vgt.f32 v3, v1  }
0x123: {  	v1 =	vadd.f32 v62, v5;
	v3 =	vnsel vm15, $0x0, v3  }
0x124: {  	v63 =	vsel vm15, $0x3F800000, v0;
	v2 =	vadd.f32 v3, v2  }
0x125: {  	v1 =	vadd.f32 v63, v1  }
0x126: {  	(xrf2) =	vadd.scan.msk.f32 $0xffff, v2  }
0x127: {  	(xrf2) =	vadd.scan.msk.f32 $0xffff, v1;
	_ =	sdelay $0x8  }
0x128: {  	v1, _, _ =	vpop (xrf2)  }
0x129: {  	(v2sf) =	vpush v1, $0xF;
	v1, _, _ =	vpop (xrf2)  }
0x12a: {  	(v2sf) =	vpush v1, $0xF;
	_ =	sdelay $0xd  }
0x12b: {  	s24 =	spop (v2sf)  }
0x12c: {  	s25 =	spop (v2sf)  }
0x12d: {  	s25 =	smax.f32 s25, $1.000000000e+00  }
0x12e: {  	v1 =	vmov s25  }
0x12f: {  	v1 =	vsub.s32 $0x7EF311C3, v1  }
0x130: {  	v2 =	vmul.f32 s25, v1;
	_ =	sdelay $0x1  }
0x131: {  	v2 =	vsub.f32 $2.000000000e+00, v2;
	_ =	sdelay $0x1  }
0x132: {  	v1 =	vmul.f32 v1, v2;
	_ =	sdelay $0x1  }
0x133: {  	v2 =	vmul.f32 s25, v1;
	_ =	sdelay $0x1  }
0x134: {  	v2 =	vsub.f32 $2.000000000e+00, v2;
	_ =	sdelay $0x1  }
0x135: {  	v1 =	vmul.f32 v2, v1;
	_ =	sdelay $0x1  }
0x136: {  	v2 =	vmul.f32 s25, v1;
	_ =	sdelay $0x1  }
0x137: {  	v2 =	vsub.f32 $2.000000000e+00, v2;
	_ =	sdelay $0x1  }
0x138: {  	v1 =	vmul.f32 v2, v1;
	_ =	sdelay $0x1  }
0x139: {  	v2 =	vmul.f32 s25, v1;
	_ =	sdelay $0x1  }
0x13a: {  	v2 =	vsub.f32 $2.000000000e+00, v2;
	_ =	sdelay $0x1  }
0x13b: {  	v1 =	vmul.f32 v2, v1;
	_ =	sdelay $0x1  }
0x13c: {  	(xrf0) =	vmax.scan.msk.f32 $0xffff, v1;
	_ =	sdelay $0x5  }
0x13d: {  	v1, _, _ =	vpop (xrf0)  }
0x13e: {  	(v2sf) =	vpush v1, $0xF;
	_ =	sdelay $0xb  }
.Ltmp9:
0x13f: {  	_ = 	snop;
	(pc) =	sbr.rel @p0 .LBB2_18-.Ltmp9, $4  }
0x140: {  	_ = 	snop  }
0x141: {  	s24 =	sadd.f32 $-1.000000000e+00, s24  }
0x142: {  	s31 =	spop (v2sf)  }
0x143: {  	p1 =	por $0x0, $0x0;
	s24 =	smul.f32 s31, s24  }
0x144: {  	s25 =	simm.s32 $0x0  }
0x145: {  	s26 =	sand.u32 $0x80, s25  }
0x146: {  	s25 =	sand.u32 $0x70, s25;
	s26 =	sadd.s32 s26, s8  }
0x147: {  	s25 =	sadd.s32 s25, s26  }
0x148: {  	v2 =	vld [tilespmem:s25+$0x0];
	_ =	sdelay $0x3  }
0x149: {  	v1 =	vmov s24  }
0x14a: {  	v2 =	vsub.f32 v2, v1;
	_ =	sdelay $0x1  }
0x14b: {  	s25 =	simm.s32 $0x10;
	v2 =	vmax.f32 v2, $0.0e+00  }
0x14c: {  	s24 =	simm.s32 $0xC00;
	s26 =	simm.s32 $0x20;
	s28 =	sand.u32 $0x80, s25;
	v2 =	vmul.f32 $1.024000000e+03, v2  }
.LBB2_22:
0x14d: {  	p0 =	sne.s32 s26, $0xF0;
	s25 =	sand.u32 $0x70, s25;
	s28 =	sadd.s32 s28, s8  }
0x14e: {  	s28 =	sadd.s32 s25, s28;
	[tilespmem:s24+$0x0] =	vst v2;
	s25 =	smov.u32 s26  }
0x14f: {  	v2 =	vld [tilespmem:s28+$0x0];
	_ =	sdelay $0x3  }
.Ltmp10:
0x150: {  	(pc) =	sbr.rel @p0 .LBB2_22-.Ltmp10, $3  }
0x151: {  	v2 =	vsub.f32 v2, v1;
	_ =	sdelay $0x1  }
0x152: {  	v2 =	vmax.f32 v2, $0.0e+00  }
0x153: {  	s26 =	sadd.s32 $0x10, s26;
	s24 =	sadd.s32 $0x10, s24;
	s28 =	sand.u32 $0x80, s25;
	v2 =	vmul.f32 $1.024000000e+03, v2  }
0x154: {  	s25 =	sand.u32 $0x70, s25;
	s26 =	sadd.s32 s28, s8  }
0x155: {  	s25 =	sadd.s32 s25, s26;
	[tilespmem:s24+$0x0] =	vst v2  }
0x156: {  	v2 =	vld [tilespmem:s25+$0x0];
	_ =	sdelay $0x4  }
0x157: {  	v1 =	vsub.f32 v2, v1;
	_ =	sdelay $0x1  }
0x158: {  	v1 =	vmax.f32 v1, $0.0e+00  }
0x159: {  	s23 =	sadd.s32 $0x1, s23;
	v1 =	vmul.f32 $1.024000000e+03, v1  }
0x15a: {  	s31 =	sadd.s32 $0x10, s24;
	p0 =	sne.s32 s23, s10  }
.Ltmp11:
0x15b: {  	[tilespmem:s31+$0x0] =	vst v1;
	(pc) =	sbr.rel @p0 .LBB2_1-.Ltmp11, $4  }
0x15c: {  	[hbm4b:s9+s3] =	stream.linear.scatter [tilespmem:s22], [sflag:$0x2], $0x100, $0x38;
	[tilespmem:$0x2D00] =	vst v63  }
0x15d: {  	_ =	swait.ge [sflag:s20], $0x100  }
0x15e: {  	[sflag:s20] =	ssyncset.done $0x0  }
0x15f: {  	[sflag:s20] =	ssyncadd.s32 $0xFFFFFF00  }
0x160: {  	_ =	sfence.sel $0x180000  }
0x161: {  	[bflag:$0x0] =	sbarrier.arrive $0xFFFF  }
0x162: {  	p0 =	sne.s32 s1, $0x0;
	_ =	strace $0x90000047  }
0x163: {  	s0 =	sadd.s32 @!p0 $0x100000, s0;
	[bflag:$0x2] =	sbarrier.arrive $0xFFFF  }
0x164: {  	[sflag:s0] =	ssyncadd.tile.s32 @!p0 $0x1;
	_ =	shalt  }
.Lfunc_end2:
_tile_overlayer_lowered:
.L_overlay_start_2:
0x165: {  	(tag) =	ssettag $0x2  }
0x166: {  	s0 =	rddreg [dreg:$0x0];
	s2 =	stileid.u32  }
0x167: {  	s1 =	rddreg [dreg:$0x1];
	p0 =	sne.s32 s2, $0x0  }
0x168: {  	s3 =	rddreg [dreg:$0x2];
	[bflag:$0x3] =	sbarrier.arrive $0xFFFF;
	s2 =	simm.s32 @!p0 $0x1C02  }
0x169: {  	[timem:s3], [sflag:s2] =	dma.local @!p0 [hbm:s0], s1  }
0x16a: {  	s0 =	simm.s32 @!p0 $0x2  }
0x16b: {  	_ =	swait.ge @!p0 [sflag:s0], s1  }
0x16c: {  	s1 =	ssub.s32 @!p0 $0x0, s1;
	[sflag:s0] =	ssyncset.done @!p0 $0x0  }
0x16d: {  	[sflag:s0] =	ssyncadd.s32 @!p0 s1  }
0x16e: {  	[bflag:$0x3] =	sbarrier.arrive $0xFFFF  }
0x16f: {  	_ =	shalt  }

</sc_bundles>
